<compile_context>
chip_gen: v7x
topology: tpu7x:2x2x1
jax: 0.10.2.dev20260603
libtpu: 0.0.44.dev20260713+nightly
codegen_flags: <defaults>
</compile_context>

<pallas_src>
import functools

import numpy as np
import jax
import jax.numpy as jnp
from jax import lax
from jax.experimental import pallas as pl
from jax.experimental.pallas import tpu as pltpu
from jax.experimental.pallas import tpu_sc as plsc

T = 4096
C = 1086
CP = 1152
OUT_T = 256
OUT_C = 454
BLK = 2048
GRID = T // BLK
NW = 32
ROWS_PER = OUT_T // NW

_FACE = np.array([0, 6, 7, 11, 12, 13, 14, 15, 17, 22, 23, 24, 25, 26, 30, 31,
    33, 37, 38, 39, 40, 41, 42, 56, 61, 62, 72, 73, 74, 76, 77, 78, 80, 81, 82,
    84, 86, 87, 88, 89, 90, 91, 95, 96, 110, 112, 113, 122, 128, 130, 133, 144,
    145, 146, 153, 154, 155, 157, 158, 159, 160, 161, 163, 168, 173, 178, 179,
    180, 181, 183, 184, 185, 188, 189, 190, 191, 193, 196, 197, 232, 233, 243,
    244, 245, 246, 247, 249, 252, 253, 254, 255, 256, 259, 260, 263, 267, 268,
    269, 270, 271, 272, 286, 291, 292, 302, 303, 304, 306, 307, 308, 310, 311,
    312, 314, 316, 317, 318, 319, 320, 321, 324, 325, 339, 341, 351, 357, 359,
    362, 373, 374, 375, 380, 381, 382, 384, 385, 386, 387, 388, 390, 398, 402,
    403, 404, 405, 407, 408, 409, 412, 413, 414, 415, 417, 419, 453, 463, 464,
    465, 466, 467], dtype=np.int32)
_POSE = np.arange(489, 514, dtype=np.int32)
_LH = np.arange(468, 489, dtype=np.int32)
_RH = np.arange(522, 543, dtype=np.int32)
_HANDS = np.concatenate([_LH, _RH])
_LIDX = np.concatenate([_FACE, _POSE, _LH, _RH])

_PART_BOUNDS = [0, 160, 181, 206, 227]
_PART_LEN = [160, 21, 25, 21]


def _runs():
    runs = []
    start = prev = int(_LIDX[0])
    for li in _LIDX[1:]:
        li = int(li)
        if li == prev + 1:
            prev = li
        else:
            runs.append((2 * start, 2 * prev + 2))
            start = prev = li
    runs.append((2 * start, 2 * prev + 2))
    assert sum(b - a for a, b in runs) == OUT_C
    return runs


_RUNS = _runs()
SELW = 512


def _build_consts():
    W8 = np.zeros((C, 8), np.float32)
    for p in range(4):
        for li in _LIDX[_PART_BOUNDS[p]:_PART_BOUNDS[p + 1]]:
            for ch in (0, 1):
                W8[2 * li + ch, 2 * p + ch] = 1.0
    S8 = np.zeros((8, OUT_C), np.float32)
    for u in range(227):
        p = next(k for k in range(4)
                 if _PART_BOUNDS[k] <= u < _PART_BOUNDS[k + 1])
        for ch in (0, 1):
            S8[2 * p + ch, 2 * u + ch] = 1.0
    NV = np.array([float(T) * _PART_LEN[p] for p in range(4) for _ in (0, 1)],
                  np.float32).reshape(8, 1)
    UT = np.triu(np.ones((BLK, BLK), np.float32))
    return W8.T.copy(), S8.T.copy(), NV, UT


_W8T, _S8T, _NV, _UT = _build_consts()


def _dot(a, b):
    return lax.dot_general(a, b, (((1,), (0,)), ((), ())),
                           precision=lax.Precision.HIGHEST,
                           preferred_element_type=jnp.float32)


def _dot_bf(a, b):
    return lax.dot_general(a, b, (((1,), (0,)), ((), ())),
                           precision=lax.Precision.DEFAULT,
                           preferred_element_type=jnp.float32)


def _reduce_body(xt_ref, ut_ref, colsum_ref, colsq_ref, cum_ref, xr_ref,
                 carry_ref):
    g = pl.program_id(0)
    xt = xt_ref[...]
    hs = (jnp.sum(xt[936:978, :], axis=0, keepdims=True)
          + jnp.sum(xt[1044:1086, :], axis=0, keepdims=True))
    m = (hs > 0.0).astype(jnp.float32)
    cumb = _dot_bf(m.astype(jnp.bfloat16), ut_ref[...])

    @pl.when(g == 0)
    def _():
        carry_ref[0] = 0.0

    carry = carry_ref[0]
    cum_ref[pl.ds(g, 1), :] = cumb + carry
    carry_ref[0] = carry + jnp.sum(m)

    xm = xt * m
    s = jnp.sum(xm, axis=1, keepdims=True)
    q = jnp.sum(xm * xt, axis=1, keepdims=True)

    @pl.when(g == 0)
    def _():
        colsum_ref[...] = s
        colsq_ref[...] = q

    @pl.when(g != 0)
    def _():
        colsum_ref[...] = colsum_ref[...] + s
        colsq_ref[...] = colsq_ref[...] + q

    parts = [xt[a:b, :] for a, b in _RUNS]
    parts.append(jnp.zeros((SELW - OUT_C, BLK), jnp.float32))
    xsel_t = jnp.concatenate(parts, axis=0)
    xr_ref[...] = lax.transpose(xsel_t, (1, 0))


_reduce = pl.pallas_call(
    _reduce_body,
    grid=(GRID,),
    in_specs=[
        pl.BlockSpec((C, BLK), lambda g: (0, g)),
        pl.BlockSpec((BLK, BLK), lambda g: (0, 0)),
    ],
    out_specs=[
        pl.BlockSpec((C, 1), lambda g: (0, 0)),
        pl.BlockSpec((C, 1), lambda g: (0, 0)),
        pl.BlockSpec((GRID, BLK), lambda g: (0, 0)),
        pl.BlockSpec((BLK, SELW), lambda g: (g, 0)),
    ],
    out_shape=[
        jax.ShapeDtypeStruct((C, 1), jnp.float32),
        jax.ShapeDtypeStruct((C, 1), jnp.float32),
        jax.ShapeDtypeStruct((GRID, BLK), jnp.float32),
        jax.ShapeDtypeStruct((T, SELW), jnp.float32),
    ],
    scratch_shapes=[pltpu.SMEM((1,), jnp.float32)],
    compiler_params=pltpu.CompilerParams(
        dimension_semantics=("arbitrary",)),
)


@functools.cache
def _get_sc_route_gather():
    mesh = plsc.VectorSubcoreMesh(core_axis_name="c", subcore_axis_name="s")

    @functools.partial(
        pl.kernel,
        mesh=mesh,
        out_type=jax.ShapeDtypeStruct((OUT_T, SELW), jnp.float32),
        scratch_types=[
            pltpu.VMEM((T,), jnp.float32),
            pltpu.VMEM((16,), jnp.int32),
            pltpu.VMEM((ROWS_PER, SELW), jnp.float32),
            pltpu.SemaphoreType.DMA,
        ],
        compiler_params=pltpu.CompilerParams(needs_layout_passes=False),
    )
    def _sc_route_gather(cum_hbm, xrp_hbm, rows_out, cum_v, idx_v, rows_v,
                         sem):
        w = lax.axis_index("s") * 2 + lax.axis_index("c")
        pltpu.sync_copy(cum_hbm, cum_v)
        tail = cum_v[pl.ds(T - 16, 16)]
        total = tail[15]
        lane = lax.iota(jnp.int32, 16)
        j = lane & 7
        r1 = ((w * ROWS_PER + j) * 16 + 9).astype(jnp.float32)
        pos = jnp.zeros((16,), jnp.int32)
        for step in (2048, 1024, 512, 256, 128, 64, 32, 16, 8, 4, 2, 1):
            v = plsc.load_gather(cum_v, [pos + (step - 1)])
            pos = jnp.where(v < r1, pos + step, pos)
        posf = jnp.where(jnp.full((16,), total) >= r1, pos, 0)
        idx_v[...] = posf
        pltpu.async_copy(xrp_hbm.at[idx_v.at[pl.ds(0, ROWS_PER)]], rows_v,
                         sem).wait()
        pltpu.sync_copy(rows_v, rows_out.at[pl.ds(w * ROWS_PER, ROWS_PER)])

    return _sc_route_gather


def _final_body(rows_ref, colsum_ref, colsq_ref, col0_ref, cnt_ref,
                w8t_ref, s8t_ref, nv_ref, out_ref):
    fill = jnp.float32(T) - cnt_ref[0, 0]
    col0 = col0_ref[...]
    cs = colsum_ref[...] + fill * col0
    cq = colsq_ref[...] + fill * col0 * col0
    psum = _dot(w8t_ref[...], cs)
    psq = _dot(w8t_ref[...], cq)
    n = nv_ref[...]
    mean = psum / n
    var = jnp.maximum(psq / n - mean * mean, 0.0)
    std = jnp.sqrt(var)
    meanv = _dot(s8t_ref[...], mean)
    stdv = _dot(s8t_ref[...], std)
    selt = lax.transpose(rows_ref[...], (1, 0))[0:OUT_C, :]
    o = jnp.where(selt == 0.0, 0.0, (selt - meanv) / stdv)
    o = jnp.where(jnp.isnan(o), 0.0, o)
    out_ref[...] = o


_final = pl.pallas_call(
    _final_body,
    out_shape=jax.ShapeDtypeStruct((OUT_C, OUT_T), jnp.float32),
)


def kernel(data):
    xt = data.transpose(1, 2, 0).reshape(C, T)
    colsum, colsq, cum2, xrp = _reduce(xt, jnp.asarray(_UT, jnp.bfloat16))
    cumf = cum2.reshape(T)
    rows = _get_sc_route_gather()(cumf, xrp)
    outt = _final(rows, colsum, colsq, xt[:, 0:1],
                  cumf[T - 1:].reshape(1, 1), jnp.asarray(_W8T),
                  jnp.asarray(_S8T), jnp.asarray(_NV))
    return outt.T, jnp.arange(OUT_T, dtype=jnp.float32)

# --- scband reference (transcript-rebuilt; emitter-appended) ---
"""Pipeline reference for scband-preprocess-layer-v2-69612829934057 (READ-ONLY COPY).

The authoritative reference and input builder live on the scoring server;
editing this copy changes nothing except your own understanding.
"""

import jax, jax.numpy as jnp
import numpy as np

FACE_IDXS = np.array([0, 6, 7, 11, 12, 13, 14, 15, 17, 22, 23, 24, 25, 26, 30, 31, 33, 37, 38, 39, 40, 41, 42, 56, 61, 62, 72, 73, 74, 76, 77, 78, 80, 81, 82, 84, 86, 87, 88, 89, 90, 91, 95, 96, 110, 112, 113, 122, 128, 130, 133, 144, 145, 146, 153, 154, 155, 157, 158, 159, 160, 161, 163, 168, 173, 178, 179, 180, 181, 183, 184, 185, 188, 189, 190, 191, 193, 196, 197, 232, 233, 243, 244, 245, 246, 247, 249, 252, 253, 254, 255, 256, 259, 260, 263, 267, 268, 269, 270, 271, 272, 286, 291, 292, 302, 303, 304, 306, 307, 308, 310, 311, 312, 314, 316, 317, 318, 319, 320, 321, 324, 325, 339, 341, 351, 357, 359, 362, 373, 374, 375, 380, 381, 382, 384, 385, 386, 387, 388, 390, 398, 402, 403, 404, 405, 407, 408, 409, 412, 413, 414, 415, 417, 419, 453, 463, 464, 465, 466, 467], dtype=np.int32)
POSE_IDXS = np.arange(489, 514, dtype=np.int32)
LEFT_HAND_IDXS = np.arange(468, 489, dtype=np.int32)
RIGHT_HAND_IDXS = np.arange(522, 543, dtype=np.int32)
HAND_IDXS = np.concatenate([LEFT_HAND_IDXS, RIGHT_HAND_IDXS], 0)
LANDMARK_IDXS = np.concatenate([FACE_IDXS, POSE_IDXS, LEFT_HAND_IDXS, RIGHT_HAND_IDXS], 0)
FACE_START = 0
LEFT_HAND_START = len(FACE_IDXS)            # 160
POSE_START = LEFT_HAND_START + len(LEFT_HAND_IDXS)   # 181
RIGHT_HAND_START = POSE_START + len(POSE_IDXS)       # 206
INPUT_SIZE = 256
T_FRAMES = 4096


def _get_mean_std(part):
    # faithful to tf: transpose [2,0,1] then reshape [2, N*L]; row0 = x, row1 = y
    flat = jnp.transpose(part, (2, 0, 1)).reshape(2, -1)
    mean = jnp.mean(flat, axis=1)
    std = jnp.std(flat, axis=1)  # population std, same as tf.math.reduce_std
    return mean, std


def setup_inputs(seed: int = 0) -> dict:
    key = jax.random.key(seed)
    data = jax.random.uniform(key, (T_FRAMES, 543, 2), dtype=jnp.float32)
    return {"data": data}


def reference(data):
    T = data.shape[0]
    hands = jnp.take(data, jnp.asarray(HAND_IDXS), axis=1)
    frames_hands_nansum = jnp.nanmean(hands, axis=(1, 2))
    mask = frames_hands_nansum > 0
    # with the provided uniform(0,1) inputs every frame is non-empty, so size=T is exact
    non_empty_frames_idxs = jnp.nonzero(mask, size=T, fill_value=0)[0]
    data = jnp.take(data, non_empty_frames_idxs, axis=0)
    non_empty_frames_idxs = non_empty_frames_idxs.astype(jnp.float32)
    N_FRAMES = data.shape[0]
    data = jnp.take(data, jnp.asarray(LANDMARK_IDXS), axis=1)

    face = data[:, FACE_START:LEFT_HAND_START, :]
    face_mean, face_std = _get_mean_std(face)
    face = jnp.where(face == 0.0, 0.0, (face - face_mean) / face_std)

    left_hand = data[:, LEFT_HAND_START:POSE_START, :]
    lh_mean, lh_std = _get_mean_std(left_hand)
    left_hand = jnp.where(left_hand == 0.0, 0.0, (left_hand - lh_mean) / lh_std)

    pose = data[:, POSE_START:RIGHT_HAND_START, :]
    pose_mean, pose_std = _get_mean_std(pose)
    pose = jnp.where(pose == 0.0, 0.0, (pose - pose_mean) / pose_std)

    right_hand = data[:, RIGHT_HAND_START:, :]
    rh_mean, rh_std = _get_mean_std(right_hand)
    right_hand = jnp.where(right_hand == 0.0, 0.0, (right_hand - rh_mean) / rh_std)

    data = jnp.concatenate([face, left_hand, pose, right_hand], axis=1)
    L = data.shape[1]  # 227

    if N_FRAMES < INPUT_SIZE:
        non_empty_frames_idxs = jnp.pad(non_empty_frames_idxs, (0, INPUT_SIZE - N_FRAMES), constant_values=-1.0)
        data = jnp.pad(data, ((0, INPUT_SIZE - N_FRAMES), (0, 0), (0, 0)), constant_values=0.0)
        data = jnp.where(jnp.isnan(data), 0.0, data)
        data = data.reshape(INPUT_SIZE, L * 2)
        return (data, non_empty_frames_idxs)
    else:
        # tf.image.resize method='nearest' with half_pixel_centers (TF2 default)
        scale = N_FRAMES / INPUT_SIZE
        row_idx = jnp.clip(jnp.floor((jnp.arange(INPUT_SIZE, dtype=jnp.float32) + 0.5) * scale).astype(jnp.int32), 0, N_FRAMES - 1)
        data = jnp.take(data, row_idx, axis=0)
        data = jnp.where(jnp.isnan(data), 0.0, data)
        data = data.reshape(INPUT_SIZE, L * 2)
        non_empty_frames_idxs = jnp.arange(INPUT_SIZE, dtype=jnp.float32)
        return (data, non_empty_frames_idxs)

if __name__ == "__main__":
    import jax
    _d = setup_inputs()
    print(jax.jit(kernel)(*tuple(_d.values())))

</pallas_src>

<mosaic_0001>
#map = affine_map<(d0, d1) -> (0)>
#map1 = affine_map<(d0, d1) -> (0, 0)>
module attributes {stable_mosaic.version = 14 : i64} {
  func.func @_sc_route_gather(%arg0: i32, %arg1: i32, %arg2: memref<4096xf32, #tpu.memory_space<hbm>>, %arg3: memref<4096x512xf32, #tpu.memory_space<hbm>>, %arg4: memref<256x512xf32, #tpu.memory_space<hbm>>, %arg5: memref<4096xf32, #tpu.memory_space<vmem>>, %arg6: memref<16xi32, #tpu.memory_space<vmem>>, %arg7: memref<8x512xf32, #tpu.memory_space<vmem>>, %arg8: memref<!tpu.dma_semaphore, #tpu.memory_space<semaphore_mem>>) attributes {dimension_semantics = [#tpu.dimension_semantics<core_parallel>, #tpu.dimension_semantics<subcore_parallel>], iteration_bounds = array<i64: 2, 16>, scalar_prefetch = 0 : i64, scratch_operands = 4 : i64, tpu.core_type = #tpu.core_type<sc_vector_subcore>, window_params = [{transform_indices = #map}, {transform_indices = #map1}, {transform_indices = #map1}]} {
    %mul3A = arith.constant 2 : i32
    %mul3A_0 = arith.muli %arg1, %mul3A : i32
    %add3A = arith.addi %mul3A_0, %arg0 : i32
    "tpu.region"() ({
      %run_scoped3A = tpu.sem_alloc : memref<!tpu.dma_semaphore, #tpu.memory_space<semaphore_mem>>
      tpu.enqueue_dma source(%arg2 : memref<4096xf32, #tpu.memory_space<hbm>>) target(%arg5 : memref<4096xf32, #tpu.memory_space<vmem>>) target_semaphore(%run_scoped3A : memref<!tpu.dma_semaphore, #tpu.memory_space<semaphore_mem>>)
      tpu.wait_dma2 semaphore(%run_scoped3A : memref<!tpu.dma_semaphore, #tpu.memory_space<semaphore_mem>>) src(%arg2 : memref<4096xf32, #tpu.memory_space<hbm>>) dst(%arg5 : memref<4096xf32, #tpu.memory_space<vmem>>)
      tpu.yield
    }) : () -> ()
    %get3A = arith.constant 4080 : index
    %get3A_1 = tpu.vector_load %arg5[%get3A] {strides = array<i32>} : memref<4096xf32, #tpu.memory_space<vmem>>, vector<16xf32>,
    %slice3A = vector.extract_strided_slice %get3A_1 {offsets = [15], sizes = [1], strides = [1]} : vector<16xf32> to vector<1xf32>
    %squeeze3A = vector.extract %slice3A[0] : f32 from vector<1xf32>
    %iota3A = tpu.iota {dimensions = array<i32: 0>} : vector<16xi32>
    %and3A = arith.constant 7 : i32
    %and3A_2 = vector.broadcast %and3A : i32 to vector<16xi32>
    %and3A_3 = arith.andi %iota3A, %and3A_2 : vector<16xi32>
    %mul3A_4 = arith.constant 8 : i32
    %mul3A_5 = arith.muli %add3A, %mul3A_4 : i32
    %add3A_6 = vector.broadcast %mul3A_5 : i32 to vector<16xi32>
    %add3A_7 = arith.addi %add3A_6, %and3A_3 : vector<16xi32>
    %mul3A_8 = arith.constant 16 : i32
    %mul3A_9 = vector.broadcast %mul3A_8 : i32 to vector<16xi32>
    %mul3A_10 = arith.muli %add3A_7, %mul3A_9 : vector<16xi32>
    %add3A_11 = arith.constant 9 : i32
    %add3A_12 = vector.broadcast %add3A_11 : i32 to vector<16xi32>
    %add3A_13 = arith.addi %mul3A_10, %add3A_12 : vector<16xi32>
    %convert_element_type3A = arith.sitofp %add3A_13 : vector<16xi32> to vector<16xf32>
    %broadcast_in_dim3A = arith.constant 0 : i32
    %broadcast_in_dim3A_14 = vector.broadcast %broadcast_in_dim3A : i32 to vector<16xi32>
    %add3A_15 = arith.constant 2047 : i32
    %add3A_16 = vector.broadcast %add3A_15 : i32 to vector<16xi32>
    %add3A_17 = arith.addi %broadcast_in_dim3A_14, %add3A_16 : vector<16xi32>
    %gather3A = tpu.vector_load_idx %arg5[%add3A_17] : memref<4096xf32, #tpu.memory_space<vmem>>[vector<16xi32>], vector<16xf32>,
    %lt3A = arith.cmpf olt, %gather3A, %convert_element_type3A : vector<16xf32>
    %add3A_18 = arith.constant 2048 : i32
    %add3A_19 = vector.broadcast %add3A_18 : i32 to vector<16xi32>
    %add3A_20 = arith.addi %broadcast_in_dim3A_14, %add3A_19 : vector<16xi32>
    %select_n3A = arith.select %lt3A, %add3A_20, %broadcast_in_dim3A_14 : vector<16xi1>, vector<16xi32>
    %add3A_21 = arith.constant 1023 : i32
    %add3A_22 = vector.broadcast %add3A_21 : i32 to vector<16xi32>
    %add3A_23 = arith.addi %select_n3A, %add3A_22 : vector<16xi32>
    %gather3A_24 = tpu.vector_load_idx %arg5[%add3A_23] : memref<4096xf32, #tpu.memory_space<vmem>>[vector<16xi32>], vector<16xf32>,
    %lt3A_25 = arith.cmpf olt, %gather3A_24, %convert_element_type3A : vector<16xf32>
    %add3A_26 = arith.constant 1024 : i32
    %add3A_27 = vector.broadcast %add3A_26 : i32 to vector<16xi32>
    %add3A_28 = arith.addi %select_n3A, %add3A_27 : vector<16xi32>
    %select_n3A_29 = arith.select %lt3A_25, %add3A_28, %select_n3A : vector<16xi1>, vector<16xi32>
    %add3A_30 = arith.constant 511 : i32
    %add3A_31 = vector.broadcast %add3A_30 : i32 to vector<16xi32>
    %add3A_32 = arith.addi %select_n3A_29, %add3A_31 : vector<16xi32>
    %gather3A_33 = tpu.vector_load_idx %arg5[%add3A_32] : memref<4096xf32, #tpu.memory_space<vmem>>[vector<16xi32>], vector<16xf32>,
    %lt3A_34 = arith.cmpf olt, %gather3A_33, %convert_element_type3A : vector<16xf32>
    %add3A_35 = arith.constant 512 : i32
    %add3A_36 = vector.broadcast %add3A_35 : i32 to vector<16xi32>
    %add3A_37 = arith.addi %select_n3A_29, %add3A_36 : vector<16xi32>
    %select_n3A_38 = arith.select %lt3A_34, %add3A_37, %select_n3A_29 : vector<16xi1>, vector<16xi32>
    %add3A_39 = arith.constant 255 : i32
    %add3A_40 = vector.broadcast %add3A_39 : i32 to vector<16xi32>
    %add3A_41 = arith.addi %select_n3A_38, %add3A_40 : vector<16xi32>
    %gather3A_42 = tpu.vector_load_idx %arg5[%add3A_41] : memref<4096xf32, #tpu.memory_space<vmem>>[vector<16xi32>], vector<16xf32>,
    %lt3A_43 = arith.cmpf olt, %gather3A_42, %convert_element_type3A : vector<16xf32>
    %add3A_44 = arith.constant 256 : i32
    %add3A_45 = vector.broadcast %add3A_44 : i32 to vector<16xi32>
    %add3A_46 = arith.addi %select_n3A_38, %add3A_45 : vector<16xi32>
    %select_n3A_47 = arith.select %lt3A_43, %add3A_46, %select_n3A_38 : vector<16xi1>, vector<16xi32>
    %add3A_48 = arith.constant 127 : i32
    %add3A_49 = vector.broadcast %add3A_48 : i32 to vector<16xi32>
    %add3A_50 = arith.addi %select_n3A_47, %add3A_49 : vector<16xi32>
    %gather3A_51 = tpu.vector_load_idx %arg5[%add3A_50] : memref<4096xf32, #tpu.memory_space<vmem>>[vector<16xi32>], vector<16xf32>,
    %lt3A_52 = arith.cmpf olt, %gather3A_51, %convert_element_type3A : vector<16xf32>
    %add3A_53 = arith.constant 128 : i32
    %add3A_54 = vector.broadcast %add3A_53 : i32 to vector<16xi32>
    %add3A_55 = arith.addi %select_n3A_47, %add3A_54 : vector<16xi32>
    %select_n3A_56 = arith.select %lt3A_52, %add3A_55, %select_n3A_47 : vector<16xi1>, vector<16xi32>
    %add3A_57 = arith.constant 63 : i32
    %add3A_58 = vector.broadcast %add3A_57 : i32 to vector<16xi32>
    %add3A_59 = arith.addi %select_n3A_56, %add3A_58 : vector<16xi32>
    %gather3A_60 = tpu.vector_load_idx %arg5[%add3A_59] : memref<4096xf32, #tpu.memory_space<vmem>>[vector<16xi32>], vector<16xf32>,
    %lt3A_61 = arith.cmpf olt, %gather3A_60, %convert_element_type3A : vector<16xf32>
    %add3A_62 = arith.constant 64 : i32
    %add3A_63 = vector.broadcast %add3A_62 : i32 to vector<16xi32>
    %add3A_64 = arith.addi %select_n3A_56, %add3A_63 : vector<16xi32>
    %select_n3A_65 = arith.select %lt3A_61, %add3A_64, %select_n3A_56 : vector<16xi1>, vector<16xi32>
    %add3A_66 = arith.constant 31 : i32
    %add3A_67 = vector.broadcast %add3A_66 : i32 to vector<16xi32>
    %add3A_68 = arith.addi %select_n3A_65, %add3A_67 : vector<16xi32>
    %gather3A_69 = tpu.vector_load_idx %arg5[%add3A_68] : memref<4096xf32, #tpu.memory_space<vmem>>[vector<16xi32>], vector<16xf32>,
    %lt3A_70 = arith.cmpf olt, %gather3A_69, %convert_element_type3A : vector<16xf32>
    %add3A_71 = arith.constant 32 : i32
    %add3A_72 = vector.broadcast %add3A_71 : i32 to vector<16xi32>
    %add3A_73 = arith.addi %select_n3A_65, %add3A_72 : vector<16xi32>
    %select_n3A_74 = arith.select %lt3A_70, %add3A_73, %select_n3A_65 : vector<16xi1>, vector<16xi32>
    %add3A_75 = arith.constant 15 : i32
    %add3A_76 = vector.broadcast %add3A_75 : i32 to vector<16xi32>
    %add3A_77 = arith.addi %select_n3A_74, %add3A_76 : vector<16xi32>
    %gather3A_78 = tpu.vector_load_idx %arg5[%add3A_77] : memref<4096xf32, #tpu.memory_space<vmem>>[vector<16xi32>], vector<16xf32>,
    %lt3A_79 = arith.cmpf olt, %gather3A_78, %convert_element_type3A : vector<16xf32>
    %add3A_80 = arith.constant 16 : i32
    %add3A_81 = vector.broadcast %add3A_80 : i32 to vector<16xi32>
    %add3A_82 = arith.addi %select_n3A_74, %add3A_81 : vector<16xi32>
    %select_n3A_83 = arith.select %lt3A_79, %add3A_82, %select_n3A_74 : vector<16xi1>, vector<16xi32>
    %add3A_84 = arith.constant 7 : i32
    %add3A_85 = vector.broadcast %add3A_84 : i32 to vector<16xi32>
    %add3A_86 = arith.addi %select_n3A_83, %add3A_85 : vector<16xi32>
    %gather3A_87 = tpu.vector_load_idx %arg5[%add3A_86] : memref<4096xf32, #tpu.memory_space<vmem>>[vector<16xi32>], vector<16xf32>,
    %lt3A_88 = arith.cmpf olt, %gather3A_87, %convert_element_type3A : vector<16xf32>
    %add3A_89 = arith.constant 8 : i32
    %add3A_90 = vector.broadcast %add3A_89 : i32 to vector<16xi32>
    %add3A_91 = arith.addi %select_n3A_83, %add3A_90 : vector<16xi32>
    %select_n3A_92 = arith.select %lt3A_88, %add3A_91, %select_n3A_83 : vector<16xi1>, vector<16xi32>
    %add3A_93 = arith.constant 3 : i32
    %add3A_94 = vector.broadcast %add3A_93 : i32 to vector<16xi32>
    %add3A_95 = arith.addi %select_n3A_92, %add3A_94 : vector<16xi32>
    %gather3A_96 = tpu.vector_load_idx %arg5[%add3A_95] : memref<4096xf32, #tpu.memory_space<vmem>>[vector<16xi32>], vector<16xf32>,
    %lt3A_97 = arith.cmpf olt, %gather3A_96, %convert_element_type3A : vector<16xf32>
    %add3A_98 = arith.constant 4 : i32
    %add3A_99 = vector.broadcast %add3A_98 : i32 to vector<16xi32>
    %add3A_100 = arith.addi %select_n3A_92, %add3A_99 : vector<16xi32>
    %select_n3A_101 = arith.select %lt3A_97, %add3A_100, %select_n3A_92 : vector<16xi1>, vector<16xi32>
    %add3A_102 = arith.constant 1 : i32
    %add3A_103 = vector.broadcast %add3A_102 : i32 to vector<16xi32>
    %add3A_104 = arith.addi %select_n3A_101, %add3A_103 : vector<16xi32>
    %gather3A_105 = tpu.vector_load_idx %arg5[%add3A_104] : memref<4096xf32, #tpu.memory_space<vmem>>[vector<16xi32>], vector<16xf32>,
    %lt3A_106 = arith.cmpf olt, %gather3A_105, %convert_element_type3A : vector<16xf32>
    %add3A_107 = arith.constant 2 : i32
    %add3A_108 = vector.broadcast %add3A_107 : i32 to vector<16xi32>
    %add3A_109 = arith.addi %select_n3A_101, %add3A_108 : vector<16xi32>
    %select_n3A_110 = arith.select %lt3A_106, %add3A_109, %select_n3A_101 : vector<16xi1>, vector<16xi32>
    %add3A_111 = arith.constant 0 : i32
    %add3A_112 = vector.broadcast %add3A_111 : i32 to vector<16xi32>
    %add3A_113 = arith.addi %select_n3A_110, %add3A_112 : vector<16xi32>
    %gather3A_114 = tpu.vector_load_idx %arg5[%add3A_113] : memref<4096xf32, #tpu.memory_space<vmem>>[vector<16xi32>], vector<16xf32>,
    %lt3A_115 = arith.cmpf olt, %gather3A_114, %convert_element_type3A : vector<16xf32>
    %add3A_116 = arith.constant 1 : i32
    %add3A_117 = vector.broadcast %add3A_116 : i32 to vector<16xi32>
    %add3A_118 = arith.addi %select_n3A_110, %add3A_117 : vector<16xi32>
    %select_n3A_119 = arith.select %lt3A_115, %add3A_118, %select_n3A_110 : vector<16xi1>, vector<16xi32>
    %broadcast_in_dim3A_120 = vector.broadcast %squeeze3A : f32 to vector<16xf32>
    %ge3A = arith.cmpf oge, %broadcast_in_dim3A_120, %convert_element_type3A : vector<16xf32>
    %jit3A = arith.constant 0 : i32
    %broadcast_in_dim3A_121 = vector.broadcast %jit3A : i32 to vector<16xi32>
    %select_n3A_122 = arith.select %ge3A, %select_n3A_119, %broadcast_in_dim3A_121 : vector<16xi1>, vector<16xi32>
    %swap3A = arith.constant 0 : index
    %swap3A_123 = tpu.vector_load %arg6[%swap3A] {strides = array<i32>} : memref<16xi32, #tpu.memory_space<vmem>>, vector<16xi32>,
    tpu.vector_store %arg6[%swap3A], %select_n3A_122 {strides = array<i32>} : memref<16xi32, #tpu.memory_space<vmem>>, vector<16xi32>,
    %dma_start3A = arith.constant 0 : i32
    %dma_start3A_124 = tpu.memref_slice %arg6[%dma_start3A] : memref<16xi32, #tpu.memory_space<vmem>> -> memref<8xi32, #tpu.memory_space<vmem>>
    %dma_start3A_125 = arith.constant 0 : i32
    %dma_start3A_126 = arith.constant 0 : i32
    %dma_start3A_127 = tpu.memref_slice %arg3[%dma_start3A_125, %dma_start3A_126] : memref<4096x512xf32, #tpu.memory_space<hbm>> -> memref<4096x512xf32, #tpu.memory_space<hbm>>
    tpu.enqueue_indirect_dma source(%dma_start3A_127 : memref<4096x512xf32, #tpu.memory_space<hbm>>) target(%arg7 : memref<8x512xf32, #tpu.memory_space<vmem>>) offsets(%dma_start3A_124 : memref<8xi32, #tpu.memory_space<vmem>>) semaphore(%arg8 : memref<!tpu.dma_semaphore, #tpu.memory_space<semaphore_mem>>)
    %dma_wait3A = arith.constant 0 : i32
    %dma_wait3A_128 = tpu.memref_slice %arg6[%dma_wait3A] : memref<16xi32, #tpu.memory_space<vmem>> -> memref<8xi32, #tpu.memory_space<vmem>>
    %dma_wait3A_129 = arith.constant 0 : i32
    %dma_wait3A_130 = arith.constant 0 : i32
    %dma_wait3A_131 = tpu.memref_slice %arg3[%dma_wait3A_129, %dma_wait3A_130] : memref<4096x512xf32, #tpu.memory_space<hbm>> -> memref<4096x512xf32, #tpu.memory_space<hbm>>
    tpu.wait_indirect_dma semaphore(%arg8 : memref<!tpu.dma_semaphore, #tpu.memory_space<semaphore_mem>>) src(%dma_wait3A_131 : memref<4096x512xf32, #tpu.memory_space<hbm>>) dst(%arg7 : memref<8x512xf32, #tpu.memory_space<vmem>>)
    %mul3A_132 = arith.constant 8 : i32
    %mul3A_133 = arith.muli %add3A, %mul3A_132 : i32
    "tpu.region"() ({
      %run_scoped3A = tpu.sem_alloc : memref<!tpu.dma_semaphore, #tpu.memory_space<semaphore_mem>>
      %dma_start3A_134 = arith.constant 0 : i32
      %dma_start3A_135 = tpu.memref_slice %arg4[%mul3A_133, %dma_start3A_134] : memref<256x512xf32, #tpu.memory_space<hbm>> -> memref<8x512xf32, #tpu.memory_space<hbm>>
      %dma_start3A_136 = arith.constant 0 : i32
      %dma_start3A_137 = tpu.memref_slice %arg4[%mul3A_133, %dma_start3A_136] : memref<256x512xf32, #tpu.memory_space<hbm>> -> memref<8x512xf32, #tpu.memory_space<hbm>>
      tpu.enqueue_dma source(%arg7 : memref<8x512xf32, #tpu.memory_space<vmem>>) target(%dma_start3A_137 : memref<8x512xf32, #tpu.memory_space<hbm>>) target_semaphore(%run_scoped3A : memref<!tpu.dma_semaphore, #tpu.memory_space<semaphore_mem>>)
      %dma_wait3A_138 = arith.constant 0 : i32
      %dma_wait3A_139 = tpu.memref_slice %arg4[%mul3A_133, %dma_wait3A_138] : memref<256x512xf32, #tpu.memory_space<hbm>> -> memref<8x512xf32, #tpu.memory_space<hbm>>
      %dma_wait3A_140 = arith.constant 0 : i32
      %dma_wait3A_141 = tpu.memref_slice %arg4[%mul3A_133, %dma_wait3A_140] : memref<256x512xf32, #tpu.memory_space<hbm>> -> memref<8x512xf32, #tpu.memory_space<hbm>>
      tpu.wait_dma2 semaphore(%run_scoped3A : memref<!tpu.dma_semaphore, #tpu.memory_space<semaphore_mem>>) src(%arg7 : memref<8x512xf32, #tpu.memory_space<vmem>>) dst(%dma_wait3A_141 : memref<8x512xf32, #tpu.memory_space<hbm>>)
      tpu.yield
    }) : () -> ()
    return
  }
}

module attributes {stable_mosaic.version = 14 : i64} {
  func.func @_reduce_body(%arg0: i32, %arg1: memref<1086x2048xf32, #tpu.memory_space<vmem>>, %arg2: memref<2048x2048xbf16, #tpu.memory_space<vmem>>, %arg3: memref<1086x1xf32, #tpu.memory_space<vmem>>, %arg4: memref<1086x1xf32, #tpu.memory_space<vmem>>, %arg5: memref<2x2048xf32, #tpu.memory_space<vmem>>, %arg6: memref<2048x512xf32, #tpu.memory_space<vmem>>, %arg7: memref<1xf32, #tpu.memory_space<smem>>) attributes {dimension_semantics = [#tpu.dimension_semantics<arbitrary>], iteration_bounds = array<i64: 2>, scalar_prefetch = 0 : i64, scratch_operands = 1 : i64, tpu.core_type = #tpu.core_type<tc>, window_params = [{transform_indices = @transform_0, window_bounds = array<i64: 1086, 2048>}, {pipeline_mode = #tpu.pipeline_mode<synchronous>, transform_indices = @transform_1, window_bounds = array<i64: 2048, 2048>}, {pipeline_mode = #tpu.pipeline_mode<synchronous>, transform_indices = @transform_2, window_bounds = array<i64: 1086, 1>}, {pipeline_mode = #tpu.pipeline_mode<synchronous>, transform_indices = @transform_3, window_bounds = array<i64: 1086, 1>}, {pipeline_mode = #tpu.pipeline_mode<synchronous>, transform_indices = @transform_4, window_bounds = array<i64: 2, 2048>}, {transform_indices = @transform_5, window_bounds = array<i64: 2048, 512>}]} {
    %get3A = arith.constant 0 : index
    %get3A_0 = arith.constant 0 : index
    %get3A_1 = vector.load %arg1[%get3A, %get3A_0] : memref<1086x2048xf32, #tpu.memory_space<vmem>>, vector<1086x2048xf32>
    %slice3A = vector.extract_strided_slice %get3A_1 {offsets = [936, 0], sizes = [42, 2048], strides = [1, 1]} : vector<1086x2048xf32> to vector<42x2048xf32>
    %reduce_sum3A = arith.constant dense<0.000000e+00> : vector<2048xf32>
    %reduce_sum3A_2 = vector.multi_reduction <add>, %slice3A, %reduce_sum3A [0] : vector<42x2048xf32> to vector<2048xf32>
    %broadcast_in_dim3A = vector.shape_cast %reduce_sum3A_2 : vector<2048xf32> to vector<1x2048xf32>
    %slice3A_3 = vector.extract_strided_slice %get3A_1 {offsets = [1044, 0], sizes = [42, 2048], strides = [1, 1]} : vector<1086x2048xf32> to vector<42x2048xf32>
    %reduce_sum3A_4 = arith.constant dense<0.000000e+00> : vector<2048xf32>
    %reduce_sum3A_5 = vector.multi_reduction <add>, %slice3A_3, %reduce_sum3A_4 [0] : vector<42x2048xf32> to vector<2048xf32>
    %broadcast_in_dim3A_6 = vector.shape_cast %reduce_sum3A_5 : vector<2048xf32> to vector<1x2048xf32>
    %add3A = arith.addf %broadcast_in_dim3A, %broadcast_in_dim3A_6 : vector<1x2048xf32>
    %gt3A = arith.constant 0.000000e+00 : f32
    %gt3A_7 = vector.broadcast %gt3A : f32 to vector<1x2048xf32>
    %gt3A_8 = arith.cmpf ogt, %add3A, %gt3A_7 : vector<1x2048xf32>
    %convert_element_type3A = arith.extui %gt3A_8 : vector<1x2048xi1> to vector<1x2048xi32>
    %convert_element_type3A_9 = arith.sitofp %convert_element_type3A : vector<1x2048xi32> to vector<1x2048xf32>
    %convert_element_type3A_10 = arith.truncf %convert_element_type3A_9 : vector<1x2048xf32> to vector<1x2048xbf16>
    %get3A_11 = arith.constant 0 : index
    %get3A_12 = arith.constant 0 : index
    %get3A_13 = vector.load %arg2[%get3A_11, %get3A_12] : memref<2048x2048xbf16, #tpu.memory_space<vmem>>, vector<2048x2048xbf16>
    %dot_general3A = arith.constant dense<0.000000e+00> : vector<1x2048xf32>
    %dot_general3A_14 = tpu.matmul %convert_element_type3A_10, %get3A_13, %dot_general3A {dimension_numbers = #tpu.dot_dimension_numbers<[1], [0], [0], [1], [0, 0, 1, 1], [], []>, transpose_lhs_hint = false} : vector<1x2048xbf16>, vector<2048x2048xbf16>, vector<1x2048xf32> -> vector<1x2048xf32>
    %eq3A = arith.constant 0 : i32
    %eq3A_15 = arith.cmpi eq, %arg0, %eq3A : i32
    %convert_element_type3A_16 = arith.extui %eq3A_15 : i1 to i32
    %cond3A = arith.constant 0 : i32
    %cond3A_17 = arith.cmpi ne, %convert_element_type3A_16, %cond3A : i32
    scf.if %cond3A_17 {
      %swap3A_123 = arith.constant 0.000000e+00 : f32
      %swap3A_124 = arith.constant 0 : index
      %swap3A_125 = memref.load %arg7[%swap3A_124] : memref<1xf32, #tpu.memory_space<smem>>
      memref.store %swap3A_123, %arg7[%swap3A_124] : memref<1xf32, #tpu.memory_space<smem>>
    } else {
    }
    %get3A_18 = arith.constant 0 : index
    %get3A_19 = memref.load %arg7[%get3A_18] : memref<1xf32, #tpu.memory_space<smem>>
    %add3A_20 = vector.broadcast %get3A_19 : f32 to vector<1x2048xf32>
    %add3A_21 = arith.addf %dot_general3A_14, %add3A_20 : vector<1x2048xf32>
    %swap3A = arith.index_cast %arg0 : i32 to index
    %swap3A_22 = arith.constant 0 : index
    %swap3A_23 = vector.load %arg5[%swap3A, %swap3A_22] : memref<2x2048xf32, #tpu.memory_space<vmem>>, vector<1x2048xf32>
    tpu.vector_store %arg5[%swap3A, %swap3A_22], %add3A_21 {strides = array<i32>} : memref<2x2048xf32, #tpu.memory_space<vmem>>, vector<1x2048xf32>,
    %reduce_sum3A_24 = vector.shape_cast %convert_element_type3A_9 : vector<1x2048xf32> to vector<1x1x2048xf32>
    %reduce_sum3A_25 = arith.constant dense<0.000000e+00> : vector<1xf32>
    %reduce_sum3A_26 = vector.multi_reduction <add>, %reduce_sum3A_24, %reduce_sum3A_25 [1, 2] : vector<1x1x2048xf32> to vector<1xf32>
    %reduce_sum3A_27 = vector.shape_cast %reduce_sum3A_26 : vector<1xf32> to vector<1x1x1xf32>
    %reduce_sum3A_28 = vector.extract %reduce_sum3A_27[0, 0, 0] : f32 from vector<1x1x1xf32>
    %add3A_29 = arith.addf %get3A_19, %reduce_sum3A_28 : f32
    %swap3A_30 = arith.constant 0 : index
    %swap3A_31 = memref.load %arg7[%swap3A_30] : memref<1xf32, #tpu.memory_space<smem>>
    memref.store %add3A_29, %arg7[%swap3A_30] : memref<1xf32, #tpu.memory_space<smem>>
    %mul3A = vector.broadcast %convert_element_type3A_9 : vector<1x2048xf32> to vector<1086x2048xf32>
    %mul3A_32 = arith.mulf %get3A_1, %mul3A : vector<1086x2048xf32>
    %reduce_sum3A_33 = arith.constant dense<0.000000e+00> : vector<1086xf32>
    %reduce_sum3A_34 = vector.multi_reduction <add>, %mul3A_32, %reduce_sum3A_33 [1] : vector<1086x2048xf32> to vector<1086xf32>
    %broadcast_in_dim3A_35 = vector.shape_cast %reduce_sum3A_34 : vector<1086xf32> to vector<1086x1xf32>
    %mul3A_36 = arith.mulf %mul3A_32, %get3A_1 : vector<1086x2048xf32>
    %reduce_sum3A_37 = arith.constant dense<0.000000e+00> : vector<1086xf32>
    %reduce_sum3A_38 = vector.multi_reduction <add>, %mul3A_36, %reduce_sum3A_37 [1] : vector<1086x2048xf32> to vector<1086xf32>
    %broadcast_in_dim3A_39 = vector.shape_cast %reduce_sum3A_38 : vector<1086xf32> to vector<1086x1xf32>
    %eq3A_40 = arith.constant 0 : i32
    %eq3A_41 = arith.cmpi eq, %arg0, %eq3A_40 : i32
    %convert_element_type3A_42 = arith.extui %eq3A_41 : i1 to i32
    %cond3A_43 = arith.constant 0 : i32
    %cond3A_44 = arith.cmpi ne, %convert_element_type3A_42, %cond3A_43 : i32
    scf.if %cond3A_44 {
      %swap3A_123 = arith.constant 0 : index
      %swap3A_124 = arith.constant 0 : index
      %swap3A_125 = vector.load %arg3[%swap3A_123, %swap3A_124] : memref<1086x1xf32, #tpu.memory_space<vmem>>, vector<1086x1xf32>
      tpu.vector_store %arg3[%swap3A_123, %swap3A_124], %broadcast_in_dim3A_35 {strides = array<i32>} : memref<1086x1xf32, #tpu.memory_space<vmem>>, vector<1086x1xf32>,
      %swap3A_126 = arith.constant 0 : index
      %swap3A_127 = arith.constant 0 : index
      %swap3A_128 = vector.load %arg4[%swap3A_126, %swap3A_127] : memref<1086x1xf32, #tpu.memory_space<vmem>>, vector<1086x1xf32>
      tpu.vector_store %arg4[%swap3A_126, %swap3A_127], %broadcast_in_dim3A_39 {strides = array<i32>} : memref<1086x1xf32, #tpu.memory_space<vmem>>, vector<1086x1xf32>,
    } else {
    }
    %ne3A = arith.constant 0 : i32
    %ne3A_45 = arith.cmpi ne, %arg0, %ne3A : i32
    %convert_element_type3A_46 = arith.extui %ne3A_45 : i1 to i32
    %cond3A_47 = arith.constant 0 : i32
    %cond3A_48 = arith.cmpi ne, %convert_element_type3A_46, %cond3A_47 : i32
    scf.if %cond3A_48 {
      %get3A_123 = arith.constant 0 : index
      %get3A_124 = arith.constant 0 : index
      %get3A_125 = vector.load %arg3[%get3A_123, %get3A_124] : memref<1086x1xf32, #tpu.memory_space<vmem>>, vector<1086x1xf32>
      %add3A_126 = arith.addf %get3A_125, %broadcast_in_dim3A_35 : vector<1086x1xf32>
      %swap3A_127 = arith.constant 0 : index
      %swap3A_128 = arith.constant 0 : index
      %swap3A_129 = vector.load %arg3[%swap3A_127, %swap3A_128] : memref<1086x1xf32, #tpu.memory_space<vmem>>, vector<1086x1xf32>
      tpu.vector_store %arg3[%swap3A_127, %swap3A_128], %add3A_126 {strides = array<i32>} : memref<1086x1xf32, #tpu.memory_space<vmem>>, vector<1086x1xf32>,
      %get3A_130 = arith.constant 0 : index
      %get3A_131 = arith.constant 0 : index
      %get3A_132 = vector.load %arg4[%get3A_130, %get3A_131] : memref<1086x1xf32, #tpu.memory_space<vmem>>, vector<1086x1xf32>
      %add3A_133 = arith.addf %get3A_132, %broadcast_in_dim3A_39 : vector<1086x1xf32>
      %swap3A_134 = arith.constant 0 : index
      %swap3A_135 = arith.constant 0 : index
      %swap3A_136 = vector.load %arg4[%swap3A_134, %swap3A_135] : memref<1086x1xf32, #tpu.memory_space<vmem>>, vector<1086x1xf32>
      tpu.vector_store %arg4[%swap3A_134, %swap3A_135], %add3A_133 {strides = array<i32>} : memref<1086x1xf32, #tpu.memory_space<vmem>>, vector<1086x1xf32>,
    } else {
    }
    %slice3A_49 = vector.extract_strided_slice %get3A_1 {offsets = [0, 0], sizes = [2, 2048], strides = [1, 1]} : vector<1086x2048xf32> to vector<2x2048xf32>
    %slice3A_50 = vector.extract_strided_slice %get3A_1 {offsets = [12, 0], sizes = [4, 2048], strides = [1, 1]} : vector<1086x2048xf32> to vector<4x2048xf32>
    %slice3A_51 = vector.extract_strided_slice %get3A_1 {offsets = [22, 0], sizes = [10, 2048], strides = [1, 1]} : vector<1086x2048xf32> to vector<10x2048xf32>
    %slice3A_52 = vector.extract_strided_slice %get3A_1 {offsets = [34, 0], sizes = [2, 2048], strides = [1, 1]} : vector<1086x2048xf32> to vector<2x2048xf32>
    %slice3A_53 = vector.extract_strided_slice %get3A_1 {offsets = [44, 0], sizes = [10, 2048], strides = [1, 1]} : vector<1086x2048xf32> to vector<10x2048xf32>
    %slice3A_54 = vector.extract_strided_slice %get3A_1 {offsets = [60, 0], sizes = [4, 2048], strides = [1, 1]} : vector<1086x2048xf32> to vector<4x2048xf32>
    %slice3A_55 = vector.extract_strided_slice %get3A_1 {offsets = [66, 0], sizes = [2, 2048], strides = [1, 1]} : vector<1086x2048xf32> to vector<2x2048xf32>
    %slice3A_56 = vector.extract_strided_slice %get3A_1 {offsets = [74, 0], sizes = [12, 2048], strides = [1, 1]} : vector<1086x2048xf32> to vector<12x2048xf32>
    %slice3A_57 = vector.extract_strided_slice %get3A_1 {offsets = [112, 0], sizes = [2, 2048], strides = [1, 1]} : vector<1086x2048xf32> to vector<2x2048xf32>
    %slice3A_58 = vector.extract_strided_slice %get3A_1 {offsets = [122, 0], sizes = [4, 2048], strides = [1, 1]} : vector<1086x2048xf32> to vector<4x2048xf32>
    %slice3A_59 = vector.extract_strided_slice %get3A_1 {offsets = [144, 0], sizes = [6, 2048], strides = [1, 1]} : vector<1086x2048xf32> to vector<6x2048xf32>
    %slice3A_60 = vector.extract_strided_slice %get3A_1 {offsets = [152, 0], sizes = [6, 2048], strides = [1, 1]} : vector<1086x2048xf32> to vector<6x2048xf32>
    %slice3A_61 = vector.extract_strided_slice %get3A_1 {offsets = [160, 0], sizes = [6, 2048], strides = [1, 1]} : vector<1086x2048xf32> to vector<6x2048xf32>
    %slice3A_62 = vector.extract_strided_slice %get3A_1 {offsets = [168, 0], sizes = [2, 2048], strides = [1, 1]} : vector<1086x2048xf32> to vector<2x2048xf32>
    %slice3A_63 = vector.extract_strided_slice %get3A_1 {offsets = [172, 0], sizes = [12, 2048], strides = [1, 1]} : vector<1086x2048xf32> to vector<12x2048xf32>
    %slice3A_64 = vector.extract_strided_slice %get3A_1 {offsets = [190, 0], sizes = [4, 2048], strides = [1, 1]} : vector<1086x2048xf32> to vector<4x2048xf32>
    %slice3A_65 = vector.extract_strided_slice %get3A_1 {offsets = [220, 0], sizes = [2, 2048], strides = [1, 1]} : vector<1086x2048xf32> to vector<2x2048xf32>
    %slice3A_66 = vector.extract_strided_slice %get3A_1 {offsets = [224, 0], sizes = [4, 2048], strides = [1, 1]} : vector<1086x2048xf32> to vector<4x2048xf32>
    %slice3A_67 = vector.extract_strided_slice %get3A_1 {offsets = [244, 0], sizes = [2, 2048], strides = [1, 1]} : vector<1086x2048xf32> to vector<2x2048xf32>
    %slice3A_68 = vector.extract_strided_slice %get3A_1 {offsets = [256, 0], sizes = [2, 2048], strides = [1, 1]} : vector<1086x2048xf32> to vector<2x2048xf32>
    %slice3A_69 = vector.extract_strided_slice %get3A_1 {offsets = [260, 0], sizes = [2, 2048], strides = [1, 1]} : vector<1086x2048xf32> to vector<2x2048xf32>
    %slice3A_70 = vector.extract_strided_slice %get3A_1 {offsets = [266, 0], sizes = [2, 2048], strides = [1, 1]} : vector<1086x2048xf32> to vector<2x2048xf32>
    %slice3A_71 = vector.extract_strided_slice %get3A_1 {offsets = [288, 0], sizes = [6, 2048], strides = [1, 1]} : vector<1086x2048xf32> to vector<6x2048xf32>
    %slice3A_72 = vector.extract_strided_slice %get3A_1 {offsets = [306, 0], sizes = [6, 2048], strides = [1, 1]} : vector<1086x2048xf32> to vector<6x2048xf32>
    %slice3A_73 = vector.extract_strided_slice %get3A_1 {offsets = [314, 0], sizes = [10, 2048], strides = [1, 1]} : vector<1086x2048xf32> to vector<10x2048xf32>
    %slice3A_74 = vector.extract_strided_slice %get3A_1 {offsets = [326, 0], sizes = [2, 2048], strides = [1, 1]} : vector<1086x2048xf32> to vector<2x2048xf32>
    %slice3A_75 = vector.extract_strided_slice %get3A_1 {offsets = [336, 0], sizes = [2, 2048], strides = [1, 1]} : vector<1086x2048xf32> to vector<2x2048xf32>
    %slice3A_76 = vector.extract_strided_slice %get3A_1 {offsets = [346, 0], sizes = [2, 2048], strides = [1, 1]} : vector<1086x2048xf32> to vector<2x2048xf32>
    %slice3A_77 = vector.extract_strided_slice %get3A_1 {offsets = [356, 0], sizes = [8, 2048], strides = [1, 1]} : vector<1086x2048xf32> to vector<8x2048xf32>
    %slice3A_78 = vector.extract_strided_slice %get3A_1 {offsets = [366, 0], sizes = [6, 2048], strides = [1, 1]} : vector<1086x2048xf32> to vector<6x2048xf32>
    %slice3A_79 = vector.extract_strided_slice %get3A_1 {offsets = [376, 0], sizes = [8, 2048], strides = [1, 1]} : vector<1086x2048xf32> to vector<8x2048xf32>
    %slice3A_80 = vector.extract_strided_slice %get3A_1 {offsets = [386, 0], sizes = [2, 2048], strides = [1, 1]} : vector<1086x2048xf32> to vector<2x2048xf32>
    %slice3A_81 = vector.extract_strided_slice %get3A_1 {offsets = [392, 0], sizes = [4, 2048], strides = [1, 1]} : vector<1086x2048xf32> to vector<4x2048xf32>
    %slice3A_82 = vector.extract_strided_slice %get3A_1 {offsets = [464, 0], sizes = [4, 2048], strides = [1, 1]} : vector<1086x2048xf32> to vector<4x2048xf32>
    %slice3A_83 = vector.extract_strided_slice %get3A_1 {offsets = [486, 0], sizes = [10, 2048], strides = [1, 1]} : vector<1086x2048xf32> to vector<10x2048xf32>
    %slice3A_84 = vector.extract_strided_slice %get3A_1 {offsets = [498, 0], sizes = [2, 2048], strides = [1, 1]} : vector<1086x2048xf32> to vector<2x2048xf32>
    %slice3A_85 = vector.extract_strided_slice %get3A_1 {offsets = [504, 0], sizes = [10, 2048], strides = [1, 1]} : vector<1086x2048xf32> to vector<10x2048xf32>
    %slice3A_86 = vector.extract_strided_slice %get3A_1 {offsets = [518, 0], sizes = [4, 2048], strides = [1, 1]} : vector<1086x2048xf32> to vector<4x2048xf32>
    %slice3A_87 = vector.extract_strided_slice %get3A_1 {offsets = [526, 0], sizes = [2, 2048], strides = [1, 1]} : vector<1086x2048xf32> to vector<2x2048xf32>
    %slice3A_88 = vector.extract_strided_slice %get3A_1 {offsets = [534, 0], sizes = [12, 2048], strides = [1, 1]} : vector<1086x2048xf32> to vector<12x2048xf32>
    %slice3A_89 = vector.extract_strided_slice %get3A_1 {offsets = [572, 0], sizes = [2, 2048], strides = [1, 1]} : vector<1086x2048xf32> to vector<2x2048xf32>
    %slice3A_90 = vector.extract_strided_slice %get3A_1 {offsets = [582, 0], sizes = [4, 2048], strides = [1, 1]} : vector<1086x2048xf32> to vector<4x2048xf32>
    %slice3A_91 = vector.extract_strided_slice %get3A_1 {offsets = [604, 0], sizes = [6, 2048], strides = [1, 1]} : vector<1086x2048xf32> to vector<6x2048xf32>
    %slice3A_92 = vector.extract_strided_slice %get3A_1 {offsets = [612, 0], sizes = [6, 2048], strides = [1, 1]} : vector<1086x2048xf32> to vector<6x2048xf32>
    %slice3A_93 = vector.extract_strided_slice %get3A_1 {offsets = [620, 0], sizes = [6, 2048], strides = [1, 1]} : vector<1086x2048xf32> to vector<6x2048xf32>
    %slice3A_94 = vector.extract_strided_slice %get3A_1 {offsets = [628, 0], sizes = [2, 2048], strides = [1, 1]} : vector<1086x2048xf32> to vector<2x2048xf32>
    %slice3A_95 = vector.extract_strided_slice %get3A_1 {offsets = [632, 0], sizes = [12, 2048], strides = [1, 1]} : vector<1086x2048xf32> to vector<12x2048xf32>
    %slice3A_96 = vector.extract_strided_slice %get3A_1 {offsets = [648, 0], sizes = [4, 2048], strides = [1, 1]} : vector<1086x2048xf32> to vector<4x2048xf32>
    %slice3A_97 = vector.extract_strided_slice %get3A_1 {offsets = [678, 0], sizes = [2, 2048], strides = [1, 1]} : vector<1086x2048xf32> to vector<2x2048xf32>
    %slice3A_98 = vector.extract_strided_slice %get3A_1 {offsets = [682, 0], sizes = [2, 2048], strides = [1, 1]} : vector<1086x2048xf32> to vector<2x2048xf32>
    %slice3A_99 = vector.extract_strided_slice %get3A_1 {offsets = [702, 0], sizes = [2, 2048], strides = [1, 1]} : vector<1086x2048xf32> to vector<2x2048xf32>
    %slice3A_100 = vector.extract_strided_slice %get3A_1 {offsets = [714, 0], sizes = [2, 2048], strides = [1, 1]} : vector<1086x2048xf32> to vector<2x2048xf32>
    %slice3A_101 = vector.extract_strided_slice %get3A_1 {offsets = [718, 0], sizes = [2, 2048], strides = [1, 1]} : vector<1086x2048xf32> to vector<2x2048xf32>
    %slice3A_102 = vector.extract_strided_slice %get3A_1 {offsets = [724, 0], sizes = [2, 2048], strides = [1, 1]} : vector<1086x2048xf32> to vector<2x2048xf32>
    %slice3A_103 = vector.extract_strided_slice %get3A_1 {offsets = [746, 0], sizes = [6, 2048], strides = [1, 1]} : vector<1086x2048xf32> to vector<6x2048xf32>
    %slice3A_104 = vector.extract_strided_slice %get3A_1 {offsets = [760, 0], sizes = [6, 2048], strides = [1, 1]} : vector<1086x2048xf32> to vector<6x2048xf32>
    %slice3A_105 = vector.extract_strided_slice %get3A_1 {offsets = [768, 0], sizes = [10, 2048], strides = [1, 1]} : vector<1086x2048xf32> to vector<10x2048xf32>
    %slice3A_106 = vector.extract_strided_slice %get3A_1 {offsets = [780, 0], sizes = [2, 2048], strides = [1, 1]} : vector<1086x2048xf32> to vector<2x2048xf32>
    %slice3A_107 = vector.extract_strided_slice %get3A_1 {offsets = [796, 0], sizes = [2, 2048], strides = [1, 1]} : vector<1086x2048xf32> to vector<2x2048xf32>
    %slice3A_108 = vector.extract_strided_slice %get3A_1 {offsets = [804, 0], sizes = [8, 2048], strides = [1, 1]} : vector<1086x2048xf32> to vector<8x2048xf32>
    %slice3A_109 = vector.extract_strided_slice %get3A_1 {offsets = [814, 0], sizes = [6, 2048], strides = [1, 1]} : vector<1086x2048xf32> to vector<6x2048xf32>
    %slice3A_110 = vector.extract_strided_slice %get3A_1 {offsets = [824, 0], sizes = [8, 2048], strides = [1, 1]} : vector<1086x2048xf32> to vector<8x2048xf32>
    %slice3A_111 = vector.extract_strided_slice %get3A_1 {offsets = [834, 0], sizes = [2, 2048], strides = [1, 1]} : vector<1086x2048xf32> to vector<2x2048xf32>
    %slice3A_112 = vector.extract_strided_slice %get3A_1 {offsets = [838, 0], sizes = [2, 2048], strides = [1, 1]} : vector<1086x2048xf32> to vector<2x2048xf32>
    %slice3A_113 = vector.extract_strided_slice %get3A_1 {offsets = [906, 0], sizes = [2, 2048], strides = [1, 1]} : vector<1086x2048xf32> to vector<2x2048xf32>
    %slice3A_114 = vector.extract_strided_slice %get3A_1 {offsets = [926, 0], sizes = [10, 2048], strides = [1, 1]} : vector<1086x2048xf32> to vector<10x2048xf32>
    %slice3A_115 = vector.extract_strided_slice %get3A_1 {offsets = [978, 0], sizes = [50, 2048], strides = [1, 1]} : vector<1086x2048xf32> to vector<50x2048xf32>
    %slice3A_116 = vector.extract_strided_slice %get3A_1 {offsets = [936, 0], sizes = [42, 2048], strides = [1, 1]} : vector<1086x2048xf32> to vector<42x2048xf32>
    %slice3A_117 = vector.extract_strided_slice %get3A_1 {offsets = [1044, 0], sizes = [42, 2048], strides = [1, 1]} : vector<1086x2048xf32> to vector<42x2048xf32>
    %broadcast_in_dim3A_118 = arith.constant 0.000000e+00 : f32
    %broadcast_in_dim3A_119 = vector.broadcast %broadcast_in_dim3A_118 : f32 to vector<58x2048xf32>
    %concatenate3A = tpu.concatenate %slice3A_49, %slice3A_50, %slice3A_51, %slice3A_52, %slice3A_53, %slice3A_54, %slice3A_55, %slice3A_56, %slice3A_57, %slice3A_58, %slice3A_59, %slice3A_60, %slice3A_61, %slice3A_62, %slice3A_63, %slice3A_64, %slice3A_65, %slice3A_66, %slice3A_67, %slice3A_68, %slice3A_69, %slice3A_70, %slice3A_71, %slice3A_72, %slice3A_73, %slice3A_74, %slice3A_75, %slice3A_76, %slice3A_77, %slice3A_78, %slice3A_79, %slice3A_80, %slice3A_81, %slice3A_82, %slice3A_83, %slice3A_84, %slice3A_85, %slice3A_86, %slice3A_87, %slice3A_88, %slice3A_89, %slice3A_90, %slice3A_91, %slice3A_92, %slice3A_93, %slice3A_94, %slice3A_95, %slice3A_96, %slice3A_97, %slice3A_98, %slice3A_99, %slice3A_100, %slice3A_101, %slice3A_102, %slice3A_103, %slice3A_104, %slice3A_105, %slice3A_106, %slice3A_107, %slice3A_108, %slice3A_109, %slice3A_110, %slice3A_111, %slice3A_112, %slice3A_113, %slice3A_114, %slice3A_115, %slice3A_116, %slice3A_117, %broadcast_in_dim3A_119 in 0 : vector<2x2048xf32>, vector<4x2048xf32>, vector<10x2048xf32>, vector<2x2048xf32>, vector<10x2048xf32>, vector<4x2048xf32>, vector<2x2048xf32>, vector<12x2048xf32>, vector<2x2048xf32>, vector<4x2048xf32>, vector<6x2048xf32>, vector<6x2048xf32>, vector<6x2048xf32>, vector<2x2048xf32>, vector<12x2048xf32>, vector<4x2048xf32>, vector<2x2048xf32>, vector<4x2048xf32>, vector<2x2048xf32>, vector<2x2048xf32>, vector<2x2048xf32>, vector<2x2048xf32>, vector<6x2048xf32>, vector<6x2048xf32>, vector<10x2048xf32>, vector<2x2048xf32>, vector<2x2048xf32>, vector<2x2048xf32>, vector<8x2048xf32>, vector<6x2048xf32>, vector<8x2048xf32>, vector<2x2048xf32>, vector<4x2048xf32>, vector<4x2048xf32>, vector<10x2048xf32>, vector<2x2048xf32>, vector<10x2048xf32>, vector<4x2048xf32>, vector<2x2048xf32>, vector<12x2048xf32>, vector<2x2048xf32>, vector<4x2048xf32>, vector<6x2048xf32>, vector<6x2048xf32>, vector<6x2048xf32>, vector<2x2048xf32>, vector<12x2048xf32>, vector<4x2048xf32>, vector<2x2048xf32>, vector<2x2048xf32>, vector<2x2048xf32>, vector<2x2048xf32>, vector<2x2048xf32>, vector<2x2048xf32>, vector<6x2048xf32>, vector<6x2048xf32>, vector<10x2048xf32>, vector<2x2048xf32>, vector<2x2048xf32>, vector<8x2048xf32>, vector<6x2048xf32>, vector<8x2048xf32>, vector<2x2048xf32>, vector<2x2048xf32>, vector<2x2048xf32>, vector<10x2048xf32>, vector<50x2048xf32>, vector<42x2048xf32>, vector<42x2048xf32>, vector<58x2048xf32> -> vector<512x2048xf32>
    %transpose3A = tpu.transpose %concatenate3A, [1, 0] : vector<512x2048xf32> -> vector<2048x512xf32>
    %swap3A_120 = arith.constant 0 : index
    %swap3A_121 = arith.constant 0 : index
    %swap3A_122 = vector.load %arg6[%swap3A_120, %swap3A_121] : memref<2048x512xf32, #tpu.memory_space<vmem>>, vector<2048x512xf32>
    tpu.vector_store %arg6[%swap3A_120, %swap3A_121], %transpose3A {strides = array<i32>} : memref<2048x512xf32, #tpu.memory_space<vmem>>, vector<2048x512xf32>,
    return
  }
  func.func @transform_0(%arg0: i32) -> (i32, i32) {
    %c0_i32 = arith.constant 0 : i32
    %c0_i32_0 = arith.constant 0 : i32
    return %c0_i32, %arg0 : i32, i32
  }
  func.func @transform_1(%arg0: i32) -> (i32, i32) {
    %c0_i32 = arith.constant 0 : i32
    %c0_i32_0 = arith.constant 0 : i32
    %c0_i32_1 = arith.constant 0 : i32
    return %c0_i32, %c0_i32_0 : i32, i32
  }
  func.func @transform_2(%arg0: i32) -> (i32, i32) {
    %c0_i32 = arith.constant 0 : i32
    %c0_i32_0 = arith.constant 0 : i32
    %c0_i32_1 = arith.constant 0 : i32
    return %c0_i32, %c0_i32_0 : i32, i32
  }
  func.func @transform_3(%arg0: i32) -> (i32, i32) {
    %c0_i32 = arith.constant 0 : i32
    %c0_i32_0 = arith.constant 0 : i32
    %c0_i32_1 = arith.constant 0 : i32
    return %c0_i32, %c0_i32_0 : i32, i32
  }
  func.func @transform_4(%arg0: i32) -> (i32, i32) {
    %c0_i32 = arith.constant 0 : i32
    %c0_i32_0 = arith.constant 0 : i32
    %c0_i32_1 = arith.constant 0 : i32
    return %c0_i32, %c0_i32_0 : i32, i32
  }
  func.func @transform_5(%arg0: i32) -> (i32, i32) {
    %c0_i32 = arith.constant 0 : i32
    %c0_i32_0 = arith.constant 0 : i32
    return %arg0, %c0_i32 : i32, i32
  }
}

module attributes {stable_mosaic.version = 14 : i64} {
  func.func @_final_body(%arg0: memref<256x512xf32, #tpu.memory_space<vmem>>, %arg1: memref<1086x1xf32, #tpu.memory_space<vmem>>, %arg2: memref<1086x1xf32, #tpu.memory_space<vmem>>, %arg3: memref<1086x1xf32, #tpu.memory_space<vmem>>, %arg4: memref<1x1xf32, #tpu.memory_space<vmem>>, %arg5: memref<8x1086xf32, #tpu.memory_space<vmem>>, %arg6: memref<454x8xf32, #tpu.memory_space<vmem>>, %arg7: memref<8x1xf32, #tpu.memory_space<vmem>>, %arg8: memref<454x256xf32, #tpu.memory_space<vmem>>) attributes {dimension_semantics = [], scalar_prefetch = 0 : i64, scratch_operands = 0 : i64, tpu.core_type = #tpu.core_type<tc>} {
    %get3A = arith.constant 0 : index
    %get3A_0 = arith.constant 0 : index
    %get3A_1 = vector.load %arg4[%get3A, %get3A_0] : memref<1x1xf32, #tpu.memory_space<vmem>>, vector<1x1xf32>
    %get3A_2 = vector.extract %get3A_1[0, 0] : f32 from vector<1x1xf32>
    %sub3A = arith.constant 4.096000e+03 : f32
    %sub3A_3 = arith.subf %sub3A, %get3A_2 : f32
    %get3A_4 = arith.constant 0 : index
    %get3A_5 = arith.constant 0 : index
    %get3A_6 = vector.load %arg3[%get3A_4, %get3A_5] : memref<1086x1xf32, #tpu.memory_space<vmem>>, vector<1086x1xf32>
    %get3A_7 = arith.constant 0 : index
    %get3A_8 = arith.constant 0 : index
    %get3A_9 = vector.load %arg1[%get3A_7, %get3A_8] : memref<1086x1xf32, #tpu.memory_space<vmem>>, vector<1086x1xf32>
    %mul3A = vector.broadcast %sub3A_3 : f32 to vector<1086x1xf32>
    %mul3A_10 = arith.mulf %mul3A, %get3A_6 : vector<1086x1xf32>
    %add3A = arith.addf %get3A_9, %mul3A_10 : vector<1086x1xf32>
    %get3A_11 = arith.constant 0 : index
    %get3A_12 = arith.constant 0 : index
    %get3A_13 = vector.load %arg2[%get3A_11, %get3A_12] : memref<1086x1xf32, #tpu.memory_space<vmem>>, vector<1086x1xf32>
    %mul3A_14 = vector.broadcast %sub3A_3 : f32 to vector<1086x1xf32>
    %mul3A_15 = arith.mulf %mul3A_14, %get3A_6 : vector<1086x1xf32>
    %mul3A_16 = arith.mulf %mul3A_15, %get3A_6 : vector<1086x1xf32>
    %add3A_17 = arith.addf %get3A_13, %mul3A_16 : vector<1086x1xf32>
    %get3A_18 = arith.constant 0 : index
    %get3A_19 = arith.constant 0 : index
    %get3A_20 = vector.load %arg5[%get3A_18, %get3A_19] : memref<8x1086xf32, #tpu.memory_space<vmem>>, vector<8x1086xf32>
    %dot_general3A = arith.constant dense<0.000000e+00> : vector<8x1xf32>
    %dot_general3A_21 = tpu.matmul %get3A_20, %add3A, %dot_general3A {dimension_numbers = #tpu.dot_dimension_numbers<[1], [0], [0], [1], [0, 0, 1, 1], [], []>, precision = #tpu.contract_precision<fp32>, transpose_lhs_hint = false} : vector<8x1086xf32>, vector<1086x1xf32>, vector<8x1xf32> -> vector<8x1xf32>
    %get3A_22 = arith.constant 0 : index
    %get3A_23 = arith.constant 0 : index
    %get3A_24 = vector.load %arg5[%get3A_22, %get3A_23] : memref<8x1086xf32, #tpu.memory_space<vmem>>, vector<8x1086xf32>
    %dot_general3A_25 = arith.constant dense<0.000000e+00> : vector<8x1xf32>
    %dot_general3A_26 = tpu.matmul %get3A_24, %add3A_17, %dot_general3A_25 {dimension_numbers = #tpu.dot_dimension_numbers<[1], [0], [0], [1], [0, 0, 1, 1], [], []>, precision = #tpu.contract_precision<fp32>, transpose_lhs_hint = false} : vector<8x1086xf32>, vector<1086x1xf32>, vector<8x1xf32> -> vector<8x1xf32>
    %get3A_27 = arith.constant 0 : index
    %get3A_28 = arith.constant 0 : index
    %get3A_29 = vector.load %arg7[%get3A_27, %get3A_28] : memref<8x1xf32, #tpu.memory_space<vmem>>, vector<8x1xf32>
    %div3A = arith.divf %dot_general3A_21, %get3A_29 : vector<8x1xf32>
    %div3A_30 = arith.divf %dot_general3A_26, %get3A_29 : vector<8x1xf32>
    %mul3A_31 = arith.mulf %div3A, %div3A : vector<8x1xf32>
    %sub3A_32 = arith.subf %div3A_30, %mul3A_31 : vector<8x1xf32>
    %max3A = arith.constant 0.000000e+00 : f32
    %max3A_33 = vector.broadcast %max3A : f32 to vector<8x1xf32>
    %max3A_34 = arith.maximumf %sub3A_32, %max3A_33 : vector<8x1xf32>
    %sqrt3A = math.sqrt %max3A_34 : vector<8x1xf32>
    %get3A_35 = arith.constant 0 : index
    %get3A_36 = arith.constant 0 : index
    %get3A_37 = vector.load %arg6[%get3A_35, %get3A_36] : memref<454x8xf32, #tpu.memory_space<vmem>>, vector<454x8xf32>
    %dot_general3A_38 = arith.constant dense<0.000000e+00> : vector<454x1xf32>
    %dot_general3A_39 = tpu.matmul %get3A_37, %div3A, %dot_general3A_38 {dimension_numbers = #tpu.dot_dimension_numbers<[1], [0], [0], [1], [0, 0, 1, 1], [], []>, precision = #tpu.contract_precision<fp32>, transpose_lhs_hint = false} : vector<454x8xf32>, vector<8x1xf32>, vector<454x1xf32> -> vector<454x1xf32>
    %get3A_40 = arith.constant 0 : index
    %get3A_41 = arith.constant 0 : index
    %get3A_42 = vector.load %arg6[%get3A_40, %get3A_41] : memref<454x8xf32, #tpu.memory_space<vmem>>, vector<454x8xf32>
    %dot_general3A_43 = arith.constant dense<0.000000e+00> : vector<454x1xf32>
    %dot_general3A_44 = tpu.matmul %get3A_42, %sqrt3A, %dot_general3A_43 {dimension_numbers = #tpu.dot_dimension_numbers<[1], [0], [0], [1], [0, 0, 1, 1], [], []>, precision = #tpu.contract_precision<fp32>, transpose_lhs_hint = false} : vector<454x8xf32>, vector<8x1xf32>, vector<454x1xf32> -> vector<454x1xf32>
    %get3A_45 = arith.constant 0 : index
    %get3A_46 = arith.constant 0 : index
    %get3A_47 = vector.load %arg0[%get3A_45, %get3A_46] : memref<256x512xf32, #tpu.memory_space<vmem>>, vector<256x512xf32>
    %transpose3A = tpu.transpose %get3A_47, [1, 0] : vector<256x512xf32> -> vector<512x256xf32>
    %slice3A = vector.extract_strided_slice %transpose3A {offsets = [0, 0], sizes = [454, 256], strides = [1, 1]} : vector<512x256xf32> to vector<454x256xf32>
    %eq3A = arith.constant 0.000000e+00 : f32
    %eq3A_48 = vector.broadcast %eq3A : f32 to vector<454x256xf32>
    %eq3A_49 = arith.cmpf oeq, %slice3A, %eq3A_48 : vector<454x256xf32>
    %sub3A_50 = vector.broadcast %dot_general3A_39 : vector<454x1xf32> to vector<454x256xf32>
    %sub3A_51 = arith.subf %slice3A, %sub3A_50 : vector<454x256xf32>
    %div3A_52 = vector.broadcast %dot_general3A_44 : vector<454x1xf32> to vector<454x256xf32>
    %div3A_53 = arith.divf %sub3A_51, %div3A_52 : vector<454x256xf32>
    %jit3A = arith.constant 0.000000e+00 : f32
    %broadcast_in_dim3A = vector.broadcast %jit3A : f32 to vector<454x256xf32>
    %select_n3A = arith.select %eq3A_49, %broadcast_in_dim3A, %div3A_53 : vector<454x256xi1>, vector<454x256xf32>
    %ne3A = arith.cmpf one, %select_n3A, %select_n3A : vector<454x256xf32>
    %jit3A_54 = arith.constant 0.000000e+00 : f32
    %broadcast_in_dim3A_55 = vector.broadcast %jit3A_54 : f32 to vector<454x256xf32>
    %select_n3A_56 = arith.select %ne3A, %broadcast_in_dim3A_55, %select_n3A : vector<454x256xi1>, vector<454x256xf32>
    %swap3A = arith.constant 0 : index
    %swap3A_57 = arith.constant 0 : index
    %swap3A_58 = vector.load %arg8[%swap3A, %swap3A_57] : memref<454x256xf32, #tpu.memory_space<vmem>>, vector<454x256xf32>
    tpu.vector_store %arg8[%swap3A, %swap3A_57], %select_n3A_56 {strides = array<i32>} : memref<454x256xf32, #tpu.memory_space<vmem>>, vector<454x256xf32>,
    return
  }
}

</mosaic_0001>

<sc_bundles>
// kernel: kernel.5.cloned.1.call-start
scs
__scs_entry_jumppad:
0x0: {  	(pc) =	sbr.rel $0x88, $3  }
0x1: {  	(tag) =	ssettag $0x0;
	lr =	simm.s32 $0x1  }
0x2: {  	[smem:$0x3FA0] =	sst lr;
	_ =	strace $0xD0000000  }
0x3: {  	_ = 	snop  }
0x4: {  	_ = 	snop  }
0x5: {  	_ = 	snop  }
0x6: {  	_ = 	snop  }
0x7: {  	_ = 	snop  }
__scs_overlays_trampoline_lowered:
0x8: {  	[smem:$0x3FAF] =	sst s0  }
0x9: {  	[smem:$0x3FB0] =	sst s1  }
0xa: {  	[smem:$0x3FB1] =	sst s2  }
0xb: {  	[smem:$0x3FB2] =	sst s3  }
0xc: {  	[smem:$0x3FB3] =	sst s4  }
0xd: {  	[smem:$0x3FB4] =	sst s5  }
0xe: {  	[smem:$0x3FB5] =	sst s6  }
0xf: {  	[smem:$0x3FB6] =	sst s7  }
0x10: {  	[smem:$0x3FB7] =	sst s8  }
0x11: {  	[smem:$0x3FB8] =	sst s9;
	s0 =	simm.s32 @!p0 $0x0  }
0x12: {  	s1 =	sld [smem:$0x3F9E];
	s0 =	simm.s32 @p0 $0x1  }
0x13: {  	[smem:$0x3FB9] =	sst s0;
	s0 =	simm.s32 @!p1 $0x0  }
0x14: {  	s2 =	sld [smem:$0x3F9D];
	s0 =	simm.s32 @p1 $0x1  }
0x15: {  	[smem:$0x3FBA] =	sst s0;
	s0 =	simm.s32 @!p2 $0x0  }
0x16: {  	s3 =	sld [smem:$0x3FDB];
	s0 =	simm.s32 @p2 $0x1  }
0x17: {  	s4 =	simm.s32 $0x1BF5;
	[smem:$0x3FBC] =	sst s0  }
0x18: {  	s0 =	sld [smem:$0x3F9F];
	_ =	swait.ge [sflag:s4], $0x0  }
0x19: {  	s7 =	sld [smem:$0x3FA0]  }
0x1a: {  	s8 =	sadd.s32 $0xFFFFE003, lr  }
0x1b: {  	s9 =	sadd.s32 $0xFFFFFEF7, lr;
	s5 =	simm.s32 $0xFFFFFFFF;
	p2 =	slt.u32 s8, $0xFFFFF086  }
0x1c: {  	p1 =	slt.u32 s9, $0xF7A;
	s5 =	simm.s32 @!p2 $0x0  }
0x1d: {  	s5 =	simm.s32 @p1 $0x1;
	p0 =	seq.s32 s7, s2  }
0x1e: {  	s7 =	smul.u32 @!p0 $0xF7A, s2;
	p2 =	seq.s32 @!p0 s5, $0x0  }
0x1f: {  	s9 =	smul.u32 $0xF7A, s1;
	s8 =	simm.s32 @!p0 $0x1BF5;
	p2 =	por !p2, p0  }
0x20: {  	[sflag:s8] =	ssyncset.s32 @!p0 $0xFFFFF086;
	s6 =	sadd.s32 @!p0 s3, s7;
	s7 =	simm.s32 @!p0 $0x108  }
0x21: {  	s3 =	sadd.s32 s3, s9;
	s6 =	sadd.s32 @!p0 $0x88, s6;
	s7 =	simm.s32 @p2 $0x1082  }
0x22: {  	[simem:s7], [sflag:s8] =	dma.local @!p0 [hbm:s6], $0xF7A  }
0x23: {  	s9 =	sor.u32 $0xD0000000, s2;
	s6 =	simm.s32 $0x108;
	_ =	swait.ge @!p0 [sflag:s8], $0x0  }
0x24: {  	s3 =	sadd.s32 $0x88, s3;
	s6 =	simm.s32 @!p1 $0x1082;
	[sflag:s4] =	ssyncset.s32 $0xFFFFF086  }
0x25: {  	[simem:s6], [sflag:s4] =	dma.local [hbm:s3], $0xF7A  }
0x26: {  	[smem:$0x3FA0] =	sst s1;
	(tag) =	ssettag s2;
	_ =	strace s9  }
0x27: {  	s1 =	sld [smem:$0x3FB0]  }
0x28: {  	s2 =	sld [smem:$0x3FB1]  }
0x29: {  	s4 =	sld [smem:$0x3FB3]  }
0x2a: {  	p0 =	seq.s32 s5, $0x0;
	s5 =	sld [smem:$0x3FB4]  }
0x2b: {  	s6 =	sld [smem:$0x3FB5]  }
0x2c: {  	s7 =	sld [smem:$0x3FB6]  }
0x2d: {  	s3 =	simm.s32 $0x108;
	s8 =	sld [smem:$0x3FB7]  }
0x2e: {  	s3 =	simm.s32 @!p0 $0x1082;
	s9 =	sld [smem:$0x3FB8]  }
0x2f: {  	lr =	sadd.s32 s0, s3;
	s0 =	sld [smem:$0x3FAF]  }
0x30: {  	s3 =	sld [smem:$0x3FB2]  }
0x31: {  	[smem:$0x3FBB] =	sst s10  }
0x32: {  	s10 =	sld [smem:$0x3FB9];
	_ =	sdelay $0x3  }
0x33: {  	p0 =	seq.s32 s10, $0x1;
	s10 =	sld [smem:$0x3FBB];
	_ =	sdelay $0x3  }
0x34: {  	[smem:$0x3FBB] =	sst s10  }
0x35: {  	s10 =	sld [smem:$0x3FBA];
	_ =	sdelay $0x3  }
0x36: {  	p1 =	seq.s32 s10, $0x1;
	s10 =	sld [smem:$0x3FBB];
	_ =	sdelay $0x3  }
0x37: {  	[smem:$0x3FBB] =	sst s10  }
0x38: {  	s10 =	sld [smem:$0x3FBC]  }
0x39: {  	_ = 	snop;
	(pc) =	sbr.ind lr, $3  }
0x3a: {  	_ = 	snop  }
0x3b: {  	_ = 	snop  }
0x3c: {  	p2 =	seq.s32 s10, $0x1;
	s10 =	sld [smem:$0x3FBB]  }
0x3d: {  	_ =	shalt  }
0x3e: {  	_ =	shalt  }
0x3f: {  	_ =	shalt  }
0x40: {  	_ =	shalt  }
0x41: {  	_ =	shalt  }
0x42: {  	_ =	shalt  }
0x43: {  	_ =	shalt  }
0x44: {  	_ =	shalt  }
0x45: {  	_ =	shalt  }
0x46: {  	_ =	shalt  }
0x47: {  	_ =	shalt  }
0x48: {  	_ =	shalt  }
0x49: {  	_ =	shalt  }
0x4a: {  	_ =	shalt  }
0x4b: {  	_ =	shalt  }
0x4c: {  	_ =	shalt  }
0x4d: {  	_ =	shalt  }
0x4e: {  	_ =	shalt  }
0x4f: {  	_ =	shalt  }
0x50: {  	_ =	shalt  }
0x51: {  	_ =	shalt  }
0x52: {  	_ =	shalt  }
0x53: {  	_ =	shalt  }
0x54: {  	_ =	shalt  }
0x55: {  	_ =	shalt  }
0x56: {  	_ =	shalt  }
0x57: {  	_ =	shalt  }
0x58: {  	_ =	shalt  }
0x59: {  	_ =	shalt  }
0x5a: {  	_ =	shalt  }
0x5b: {  	_ =	shalt  }
0x5c: {  	_ =	shalt  }
0x5d: {  	_ =	shalt  }
0x5e: {  	_ =	shalt  }
0x5f: {  	_ =	shalt  }
0x60: {  	_ =	shalt  }
0x61: {  	_ =	shalt  }
0x62: {  	_ =	shalt  }
0x63: {  	_ =	shalt  }
0x64: {  	_ =	shalt  }
0x65: {  	_ =	shalt  }
0x66: {  	_ =	shalt  }
0x67: {  	_ =	shalt  }
0x68: {  	_ =	shalt  }
0x69: {  	_ =	shalt  }
0x6a: {  	_ =	shalt  }
0x6b: {  	_ =	shalt  }
0x6c: {  	_ =	shalt  }
0x6d: {  	_ =	shalt  }
0x6e: {  	_ =	shalt  }
0x6f: {  	_ =	shalt  }
0x70: {  	_ =	shalt  }
0x71: {  	_ =	shalt  }
0x72: {  	_ =	shalt  }
0x73: {  	_ =	shalt  }
0x74: {  	_ =	shalt  }
0x75: {  	_ =	shalt  }
0x76: {  	_ =	shalt  }
0x77: {  	_ =	shalt  }
0x78: {  	_ =	shalt  }
0x79: {  	_ =	shalt  }
0x7a: {  	_ =	shalt  }
0x7b: {  	_ =	shalt  }
0x7c: {  	_ =	shalt  }
0x7d: {  	_ =	shalt  }
0x7e: {  	_ =	shalt  }
0x7f: {  	_ =	shalt  }
0x80: {  	_ =	shalt  }
0x81: {  	_ =	shalt  }
0x82: {  	_ =	shalt  }
0x83: {  	_ =	shalt  }
0x84: {  	_ =	shalt  }
0x85: {  	_ =	shalt  }
0x86: {  	_ =	shalt  }
0x87: {  	_ =	shalt  }
.Lfunc_end0:
.L_simem_size_0:
called_computation_lowered:
.L_overlay_start_0:
0x88: {  	s2 =	sld [smem:$0x3FD9]  }
0x89: {  	s3 =	sld [smem:$0x3FFE];
	_ =	sdelay $0x1  }
0x8a: {  	s1 =	srdreg.scid  }
0x8b: {  	s0 =	sand.u32 $0x1, s1  }
0x8c: {  	s14 =	sshll.u32 s0, $0xA;
	s2 =	sadd.s32 s3, s2  }
0x8d: {  	s2 =	sadd.s32 s2, s14  }
0x8e: {  	[smem:$0x3FC7] =	sst s2  }
0x8f: {  	_ = 	snop  }
0x90: {  	s2 =	sld [smem:$0x3FD0];
	_ =	sdelay $0x2  }
0x91: {  	s15 =	simm.s32 $0xA;
	s4 =	simm.s32 $0x10  }
0x92: {  	[smem:s4], [sflag:s15] =	dma.local [hbm:s2], $0x1  }
0x93: {  	_ =	swait.eq [sflag:s15], $0x1  }
0x94: {  	[sflag:s15] =	ssyncset.done $0x0  }
0x95: {  	[sflag:s15] =	ssyncadd.s32 $0xFFFFFFFF  }
0x96: {  	s16 =	sld [smem:$0x10];
	(tm) =	ssettm $0x1  }
0x97: {  	s17 =	sld [smem:$0x3FFB];
	_ =	sdelay $0x3  }
0x98: {  	_ =	strace s17  }
0x99: {  	s3 =	sld [smem:$0x3FFC];
	_ =	sdelay $0x3  }
0x9a: {  	_ =	strace s3  }
0x9b: {  	s3 =	sld [smem:$0x3FFD];
	_ =	sdelay $0x3  }
0x9c: {  	_ =	strace s3  }
0x9d: {  	_ =	strace $0x8FFFFFFF  }
0x9e: {  	s18 =	sld [smem:$0x3FDB];
	_ =	sdelay $0x1  }
0x9f: {  	s19 =	simm.s32 $_scs_section_size  }
0xa0: {  	s5 =	simm.s32 $_size__tile_overlayer_lowered;
	s6 =	simm.s32 $_tile_overlayer_lowered  }
0xa1: {  	s22 =	simm.s32 $0x1BFF;
	s21 =	sshll.u32 s6, $0x1;
	s3 =	sadd.s32 s19, s18  }
0xa2: {  	s7 =	simm.s32 $0x0;
	s20 =	sshll.u32 s5, $0x1;
	s5 =	sadd.s32 s21, s3  }
0xa3: {  	[timem:s7], [sflag:s22] =	dma.local [hbm:s5], s20  }
0xa4: {  	_ =	swait.ge [sflag:s22], s20  }
0xa5: {  	s4 =	ssub.s32 $0x0, s20;
	[sflag:s22] =	ssyncset.done $0x0  }
0xa6: {  	[sflag:s22] =	ssyncadd.s32 s4;
	_ =	sdelay $0x1  }
0xa7: {  	s23 =	simm.s32 $0x1B8B  }
0xa8: {  	_ =	swait.ge [sflag:s23], $0x1  }
0xa9: {  	[sflag:s23] =	ssyncset.done $0x0  }
0xaa: {  	s25 =	simm.s32 $0x1B8E;
	s24 =	sld [smem:$0x3FFE];
	[sflag:s23] =	ssyncadd.s32 $0xFFFFFFFF  }
0xab: {  	s26 =	simm.s32 $execute0_lowered;
	[smem:$0x3FD2] =	sst s25  }
0xac: {  	s5 =	sshll.u32 s26, $0x1;
	_ =	strace $0x80000046;
	[dreg:$0x1] =	wrdreg $0xFFFFFFFF  }
0xad: {  	s28 =	simm.s32 $_size_execute0_lowered;
	s3 =	sadd.s32 s3, s5;
	[dreg:$0x0] =	wrdreg $0x0  }
0xae: {  	s5 =	sshll.u32 s28, $0x1;
	[dreg:$0x2] =	wrdreg s3  }
0xaf: {  	[dreg:$0x3] =	wrdreg s5  }
0xb0: {  	[dreg:$0x4] =	wrdreg $0xC0  }
0xb1: {  	_ =	task [dreg:s7], $0x5FFFF  }
0xb2: {  	[dreg:$0x1] =	wrdreg $0xFFFFFFFF  }
0xb3: {  	[dreg:$0x0] =	wrdreg $0x60  }
0xb4: {  	[dreg:$0x2] =	wrdreg s16  }
0xb5: {  	[dreg:$0x3] =	wrdreg s24  }
0xb6: {  	[dreg:$0x4] =	wrdreg $0x9  }
0xb7: {  	_ =	task.clear_ibuf [dreg:s7], $0x5FFFF;
	_ =	strace $0x90000046  }
0xb8: {  	s29 =	simm.s32 $0x9;
	_ =	strace $0x80000048  }
0xb9: {  	_ =	swait.ge [sflag:s29], $0x1  }
0xba: {  	[sflag:s29] =	ssyncadd.s32 $0xFFFFFFFF  }
0xbb: {  	_ =	strace $0x90000048  }
0xbc: {  	_ =	sfence  }
0xbd: {  	s30 =	sld [smem:$0x0];
	_ =	sdelay $0x2  }
0xbe: {  	s31 =	sshll.u32 s1, $0xD;
	s1 =	sshrl.u32 s1, $0x2  }
0xbf: {  	s3 =	sand.u32 $0x4000, s31;
	s1 =	sadd.s32 s1, s30  }
0xc0: {  	s0 =	sor.u32 s3, s0;
	s1 =	sshll.u32 s1, $0x11  }
0xc1: {  	s0 =	sor.u32 s1, s0  }
0xc2: {  	s0 =	sadd.s32 $0x8F2B, s0  }
0xc3: {  	[sflag:s0] =	ssyncadd.remote.s32 $0x1  }
0xc4: {  	_ =	sfence.sel $0xFFFF  }
0xc5: {  	[dreg:$0x0] =	wrdreg $0xFFFFFFFF;
	(pc) =	sbr.abs _section_cstart, $3  }
0xc6: {  	[dreg:$0x1] =	wrdreg $0xFFFFFFFF  }
0xc7: {  	_ =	task.clear_ibuf [dreg:s7], $0x2FFFF;
	_ =	strace $0x9FFFFFFF  }
0xc8: {  	(tm) =	ssettm $0x7FFFFFFF  }
0xc9: {  	_ =	shalt  }
tec
execute0_lowered:
.L_overlay_start_1:
0x0: {  	(tag) =	ssettag $0x1  }
0x1: {  	s2 =	srdreg.scid  }
0x2: {  	s1 =	rddreg [dreg:$0x0];
	s0 =	stileid.u32;
	s4 =	sand.u32 $0x1, s2  }
0x3: {  	s5 =	rddreg [dreg:$0x1];
	v3 =	vlaneseq.u32;
	s6 =	sshll.u32 s0, $0x4;
	s7 =	sshll.u32 s4, $0x3  }
0x4: {  	s3 =	simm.s32 $0x0;
	s9 =	simm.s32 $0x1080;
	v0 =	vand.u32 $0x7, v3;
	s6 =	sor.u32 s7, s6  }
0x5: {  	s10 =	simm.s32 $0x1880;
	s11 =	simm.s32 $0x1;
	[smem:$0x7FF] =	sst s3;
	v2 =	vmul.u32 $0x10, v0;
	v1 =	vmov s6  }
0x6: {  	s2 =	rddreg [dreg:$0x2];
	_ =	strace $0x80000047;
	s31 =	ssub.s32 $0x2, s4;
	v1 =	vshll.u32 v1, $0x4  }
0x7: {  	vm0 =	vmmov $0xffff;
	s4 =	sadd.s32 $0x89200, s5;
	s8 =	sshrl.u32 s31, $0x1;
	s6 =	sshll.u32 s6, $0x6;
	v1 =	vor.u32 v2, v1  }
0x8: {  	v4 =	vshrl.u32 v3, $0x3;
	v3 =	vimm.s32 $0x0;
	s7 =	ssub.s32 s31, s8;
	s8 =	simm.s32 $0x2;
	s6 =	sadd.s32 s6, s5;
	v1 =	vor.u32 $0x9, v1  }
0x9: {  	v4 =	vmul.u32 $0x8, v4;
	s5 =	sadd.s32 $0x89300, s5;
	s7 =	smax.u32 s7, $0x1;
	s6 =	sadd.s32 $0xC9200, s6;
	v2 =	vimm.s32 $0x7FF;
	v1 =	vcvt.s32.f32 v1  }
.LBB2_1:
0xa: {  	[tilespmem:s3], [sflag:$0x2] =	stream.linear.gather [hbm4b:s1+s3], $0x1000, $0x38;
	[tilespmem:$0x2080] =	vst v63  }
0xb: {  	_ =	swait.ge [sflag:s8], $0x1000  }
0xc: {  	[sflag:s8] =	ssyncset.done $0x0  }
0xd: {  	[sflag:s8] =	ssyncadd.s32 $0xFFFFF000  }
0xe: {  	v5 =	vld.idx.msk [tilespmem:v2+s3+$0x0], $0xffff;
	_ =	sdelay $0x4  }
0xf: {  	vm1 =	vlt.f32 v5, v1  }
0x10: {  	v5 =	vsel vm1, $0x800, v3  }
0x11: {  	v6 =	vor.u32 $0x3FF, v5;
	_ =	sdelay $0x4  }
0x12: {  	v6 =	vld.idx.msk [tilespmem:v6+s3+$0x0], $0xffff;
	_ =	sdelay $0x4  }
0x13: {  	vm1 =	vlt.f32 v6, v1;
	v6 =	vor.u32 $0x400, v5  }
0x14: {  	v5 =	vsel vm1, v6, v5  }
0x15: {  	v6 =	vor.u32 $0x1FF, v5;
	_ =	sdelay $0x4  }
0x16: {  	v6 =	vld.idx.msk [tilespmem:v6+s3+$0x0], $0xffff;
	_ =	sdelay $0x4  }
0x17: {  	vm1 =	vlt.f32 v6, v1;
	v6 =	vor.u32 $0x200, v5  }
0x18: {  	v5 =	vsel vm1, v6, v5  }
0x19: {  	v6 =	vor.u32 $0xFF, v5;
	_ =	sdelay $0x4  }
0x1a: {  	v6 =	vld.idx.msk [tilespmem:v6+s3+$0x0], $0xffff;
	_ =	sdelay $0x4  }
0x1b: {  	vm1 =	vlt.f32 v6, v1;
	v6 =	vor.u32 $0x100, v5  }
0x1c: {  	v5 =	vsel vm1, v6, v5  }
0x1d: {  	v6 =	vadd.s32 $0x7F, v5;
	_ =	sdelay $0x4  }
0x1e: {  	v6 =	vld.idx.msk [tilespmem:v6+s3+$0x0], $0xffff;
	_ =	sdelay $0x4  }
0x1f: {  	vm1 =	vlt.f32 v6, v1;
	v6 =	vadd.s32 $0x80, v5  }
0x20: {  	v5 =	vsel vm1, v6, v5  }
0x21: {  	v6 =	vadd.s32 $0x3F, v5;
	_ =	sdelay $0x4  }
0x22: {  	v6 =	vld.idx.msk [tilespmem:v6+s3+$0x0], $0xffff;
	_ =	sdelay $0x4  }
0x23: {  	vm1 =	vlt.f32 v6, v1;
	v6 =	vadd.s32 $0x40, v5  }
0x24: {  	v5 =	vsel vm1, v6, v5  }
0x25: {  	v6 =	vadd.s32 $0x1F, v5;
	_ =	sdelay $0x4  }
0x26: {  	v6 =	vld.idx.msk [tilespmem:v6+s3+$0x0], $0xffff;
	_ =	sdelay $0x4  }
0x27: {  	vm1 =	vlt.f32 v6, v1;
	v6 =	vadd.s32 $0x20, v5  }
0x28: {  	v5 =	vsel vm1, v6, v5  }
0x29: {  	v6 =	vadd.s32 $0xF, v5;
	_ =	sdelay $0x4  }
0x2a: {  	v6 =	vld.idx.msk [tilespmem:v6+s3+$0x0], $0xffff;
	_ =	sdelay $0x4  }
0x2b: {  	vm1 =	vlt.f32 v6, v1;
	v6 =	vadd.s32 $0x10, v5  }
0x2c: {  	v5 =	vsel vm1, v6, v5  }
0x2d: {  	v6 =	vadd.s32 $0x7, v5;
	_ =	sdelay $0x4  }
0x2e: {  	v6 =	vld.idx.msk [tilespmem:v6+s3+$0x0], $0xffff;
	_ =	sdelay $0x4  }
0x2f: {  	vm1 =	vlt.f32 v6, v1;
	v6 =	vadd.s32 $0x8, v5  }
0x30: {  	v5 =	vsel vm1, v6, v5  }
0x31: {  	v6 =	vadd.s32 $0x3, v5;
	_ =	sdelay $0x4  }
0x32: {  	v6 =	vld.idx.msk [tilespmem:v6+s3+$0x0], $0xffff;
	_ =	sdelay $0x4  }
0x33: {  	vm1 =	vlt.f32 v6, v1;
	v6 =	vadd.s32 $0x4, v5  }
0x34: {  	v5 =	vsel vm1, v6, v5  }
0x35: {  	v6 =	vadd.s32 $0x1, v5;
	_ =	sdelay $0x4  }
0x36: {  	v6 =	vld.idx.msk [tilespmem:v6+s3+$0x0], $0xffff;
	_ =	sdelay $0x4  }
0x37: {  	vm1 =	vlt.f32 v6, v1;
	v6 =	vadd.s32 $0x2, v5  }
0x38: {  	v5 =	vsel vm1, v6, v5;
	_ =	sdelay $0x3  }
0x39: {  	v6 =	vld [tilespmem:$0xFF0]  }
0x3a: {  	v7 =	vld.idx.msk [tilespmem:v5+s3+$0x0], $0xffff;
	_ =	sdelay $0x4  }
0x3b: {  	v6 =	vbroadcast v6, $0xF;
	vm1 =	vlt.f32 v7, v1  }
0x3c: {  	v7 =	vsel vm1, $0x1, v3  }
0x3d: {  	vm1 =	vge.f32 v6, v1;
	v5 =	vadd.s32 v7, v5  }
0x3e: {  	v5 =	vnsel vm1, $0x0, v5  }
0x3f: {  	[tilespmem:$0x1000] =	vst v5  }
0x40: {  	v5 =	vld.msk [tilespmem:$0x1000], $0xff;
	_ =	sdelay $0x4  }
0x41: {  	v6 =	vshll.u32 v5, $0x2  }
0x42: {  	v5 =	vand.u32 $0x7, v5;
	v6 =	vand.u32 $0xFFFFFFE0, v6  }
0x43: {  	v5 =	vor.u32 v5, v6  }
0x44: {  	v5 =	vperm.xlane v5, v0;
	_ =	sdelay $0x1  }
0x45: {  	v5 =	vadd.s32 v4, v5;
	_ =	sdelay $0x4  }
0x46: {  	[tilespmem:s9], [sflag:$0x1] =	stream.indirect_vreg.gather [hbm4b:s4+s3], $0x80, v5, vm0, $0xb8;
	[tilespmem:$0x2080] =	vst v63  }
0x47: {  	_ = 	snop  }
0x48: {  	[tilespmem:s10], [sflag:$0x1] =	stream.indirect_vreg.gather [hbm4b:s5+s3], $0x80, v5, vm0, $0xb8;
	[tilespmem:$0x2080] =	vst v63  }
0x49: {  	_ =	swait.ge [sflag:s11], $0x1000  }
0x4a: {  	p0 =	sne.s32 s7, $0x1;
	[sflag:s11] =	ssyncset.done $0x0  }
.Ltmp0:
0x4b: {  	[sflag:s11] =	ssyncadd.s32 $0xFFFFF000;
	(pc) =	sbr.rel @p0 .LBB2_1-.Ltmp0, $4  }
0x4c: {  	[hbm4b:s6+s3] =	stream.linear.scatter [tilespmem:s9], [sflag:$0x2], $0x1000, $0x38;
	[tilespmem:$0x2080] =	vst v63  }
0x4d: {  	_ =	swait.ge [sflag:s8], $0x1000  }
0x4e: {  	[sflag:s8] =	ssyncset.done $0x0  }
0x4f: {  	s7 =	sadd.s32 $0xFFFFFFFF, s7;
	[sflag:s8] =	ssyncadd.s32 $0xFFFFF000  }
0x50: {  	_ =	sfence.sel $0x180000  }
0x51: {  	[bflag:$0x0] =	sbarrier.arrive $0xFFFF  }
0x52: {  	p0 =	sne.s32 s0, $0x0;
	_ =	strace $0x90000047  }
0x53: {  	s0 =	sadd.s32 @!p0 $0x100000, s2;
	[bflag:$0x2] =	sbarrier.arrive $0xFFFF  }
0x54: {  	[sflag:s0] =	ssyncadd.tile.s32 @!p0 $0x1;
	_ =	shalt  }
.Lfunc_end2:
_tile_overlayer_lowered:
.L_overlay_start_2:
0x55: {  	(tag) =	ssettag $0x2  }
0x56: {  	s0 =	rddreg [dreg:$0x0];
	s2 =	stileid.u32  }
0x57: {  	s1 =	rddreg [dreg:$0x1];
	p0 =	sne.s32 s2, $0x0  }
0x58: {  	s3 =	rddreg [dreg:$0x2];
	[bflag:$0x3] =	sbarrier.arrive $0xFFFF;
	s2 =	simm.s32 @!p0 $0x1C02  }
0x59: {  	[timem:s3], [sflag:s2] =	dma.local @!p0 [hbm:s0], s1  }
0x5a: {  	s0 =	simm.s32 @!p0 $0x2  }
0x5b: {  	_ =	swait.ge @!p0 [sflag:s0], s1  }
0x5c: {  	s1 =	ssub.s32 @!p0 $0x0, s1;
	[sflag:s0] =	ssyncset.done @!p0 $0x0  }
0x5d: {  	[sflag:s0] =	ssyncadd.s32 @!p0 s1  }
0x5e: {  	[bflag:$0x3] =	sbarrier.arrive $0xFFFF  }
0x5f: {  	_ =	shalt  }

</sc_bundles>
